<compile_context>
chip_gen: v7x
topology: tpu7x:2x2x1
jax: 0.10.2.dev20260603
libtpu: 0.0.44.dev20260713+nightly
codegen_flags: <defaults>
</compile_context>

<pallas_src>
import functools

import jax
import jax.numpy as jnp
from jax import lax
from jax.experimental import pallas as pl
from jax.experimental.pallas import tpu as pltpu
from jax.experimental.pallas import tpu_sc as plsc

N = 10000
D = 128
EPS = 1e-5

N_PAD = 10112
E_PAD = 327680
ROWS_PER_TILE = 632
CHUNK = 128
NCH_A = 120
NCH_B = 40


def _sc_mesh():
    return plsc.VectorSubcoreMesh(core_axis_name="c", subcore_axis_name="s")


def _deg_hist_call(dst2d):

    blk = 64

    @functools.partial(
        pl.kernel,
        mesh=_sc_mesh(),
        out_type=jax.ShapeDtypeStruct((2 * N_PAD * 16,), jnp.float32),
        scratch_types=[
            pltpu.VMEM((blk, CHUNK), jnp.int32),
            pltpu.VMEM((ROWS_PER_TILE * 16,), jnp.float32),
        ],
        compiler_params=pltpu.CompilerParams(needs_layout_passes=False),
    )
    def k(dst_hbm, out_hbm, dbuf, hist):
        c = lax.axis_index("c")
        s = lax.axis_index("s")
        lo = s * ROWS_PER_TILE
        lanes = lax.broadcasted_iota(jnp.int32, (16,), 0)
        ones16 = jnp.ones((16,), jnp.float32)

        def zrow(r, carry):
            hist[pl.ds(r * 16, 16)] = jnp.zeros((16,), jnp.float32)
            return carry

        lax.fori_loop(0, ROWS_PER_TILE, zrow, 0)

        half_rows = E_PAD // CHUNK // 2
        n_blk = half_rows // blk
        row_base = c * half_rows

        def brow(r, carry):
            for g in range(CHUNK // 16):
                d = dbuf[r, pl.ds(g * 16, 16)]
                loc = jnp.clip(d - lo, 0, ROWS_PER_TILE - 1)
                m = (d >= lo) & (d < lo + ROWS_PER_TILE)
                plsc.addupdate_scatter(hist, [loc * 16 + lanes], ones16,
                                       mask=m)
            return carry

        def bblk(i, carry):
            pltpu.sync_copy(dst_hbm.at[pl.ds(row_base + i * blk, blk)], dbuf)
            lax.fori_loop(0, blk, brow, 0)
            return carry

        lax.fori_loop(0, n_blk, bblk, 0)
        pltpu.sync_copy(
            hist, out_hbm.at[pl.ds((c * N_PAD + lo) * 16, ROWS_PER_TILE * 16)])

    return k(dst2d).reshape(2 * N_PAD, 16)


def _edge_scatter_call(table, src_p, dst_p, zeros, width):

    @functools.partial(
        pl.kernel,
        mesh=_sc_mesh(),
        out_type=jax.ShapeDtypeStruct((2 * N_PAD, width), jnp.float32),
        scratch_types=[
            pltpu.VMEM((CHUNK,), jnp.int32),
            pltpu.VMEM((CHUNK,), jnp.int32),
            pltpu.VMEM((CHUNK,), jnp.int32),
            pltpu.VMEM((CHUNK,), jnp.int32),
            pltpu.VMEM((CHUNK, width), jnp.float32),
            pltpu.VMEM((CHUNK, width), jnp.float32),
            pltpu.SemaphoreType.DMA,
            pltpu.SemaphoreType.DMA,
            pltpu.SemaphoreType.DMA,
            pltpu.VMEM_SHARED((N_PAD, width), jnp.float32),
        ],
    )
    def k(table_hbm, src_hbm, dst_hbm, zeros_hbm, out_hbm,
          sidx0, didx0, sidx1, didx1, rows0, rows1, g0, g1, ssem, agg_sh):
        c = lax.axis_index("c")
        s = lax.axis_index("s")
        row0 = s * ROWS_PER_TILE
        pltpu.sync_copy(zeros_hbm.at[pl.ds(row0, ROWS_PER_TILE)],
                        agg_sh.at[pl.ds(row0, ROWS_PER_TILE)])
        plsc.subcore_barrier()
        n_my = jnp.where(c == 0, NCH_A, NCH_B)
        ebase = jnp.where(c == 0, s * NCH_A, 16 * NCH_A + s * NCH_B) * CHUNK
        sidx = (sidx0, sidx1)
        didx = (didx0, didx1)
        rows = (rows0, rows1)
        gsem = (g0, g1)

        def load_idx(i, b):
            e0 = ebase + i * CHUNK
            pltpu.sync_copy(src_hbm.at[pl.ds(e0, CHUNK)], sidx[b])
            pltpu.sync_copy(dst_hbm.at[pl.ds(e0, CHUNK)], didx[b])

        def gather(b):
            pltpu.async_copy(table_hbm.at[sidx[b]], rows[b], gsem[b])

        def drain_gather(b):
            pltpu.make_async_copy(table_hbm.at[sidx[b]], rows[b],
                                  gsem[b]).wait()

        def scatter(b):
            pltpu.async_copy(rows[b], agg_sh.at[didx[b]], ssem, add=True)

        def drain_scatter(b):
            pltpu.make_async_copy(rows[b], agg_sh.at[didx[b]], ssem).wait()

        load_idx(0, 0)
        gather(0)
        load_idx(1, 1)
        gather(1)
        drain_gather(0)
        scatter(0)

        def step(i, b, nb):
            drain_scatter(nb)
            load_idx(i + 1, nb)
            gather(nb)
            drain_gather(b)
            scatter(b)

        def body(i2, carry):
            i = 1 + i2 * 2
            step(i, 1, 0)
            step(i + 1, 0, 1)
            return carry

        lax.fori_loop(0, (n_my - 2) // 2, body, 0)
        drain_scatter(0)
        drain_gather(1)
        scatter(1)
        drain_scatter(1)

        plsc.subcore_barrier()
        pltpu.sync_copy(agg_sh.at[pl.ds(row0, ROWS_PER_TILE)],
                        out_hbm.at[pl.ds(c * N_PAD + row0, ROWS_PER_TILE)])

    return k(table, src_p, dst_p, zeros)


def _proj_bn_call(x, W_proj, b_proj, gamma, beta, degp):

    def body(x_ref, wp_ref, bp_ref, g_ref, bt_ref, degp_ref, hs0_ref, isd_ref):
        h = jnp.dot(x_ref[...], wp_ref[...],
                    preferred_element_type=jnp.float32) + bp_ref[...]
        mean = jnp.mean(h, axis=0, keepdims=True)
        ctr = h - mean
        var = jnp.mean(ctr * ctr, axis=0, keepdims=True)
        hbn = ctr * lax.rsqrt(var + EPS) * g_ref[...] + bt_ref[...]
        deg = jnp.sum(degp_ref[0:N_PAD, :] + degp_ref[N_PAD:2 * N_PAD, :],
                      axis=1, keepdims=True) + 1.0
        isd = lax.rsqrt(deg)
        rowid = lax.broadcasted_iota(jnp.int32, (N_PAD, 1), 0)
        isd = jnp.where(rowid < N, isd, 0.0)
        isd_b = jnp.broadcast_to(isd, (N_PAD, D))
        isd_ref[...] = isd_b
        hs0_ref[0:N, :] = isd_b[0:N, :] * hbn
        hs0_ref[N:N_PAD, :] = jnp.zeros((N_PAD - N, D), jnp.float32)

    return pl.pallas_call(
        body,
        out_shape=(jax.ShapeDtypeStruct((N_PAD, D), jnp.float32),
                   jax.ShapeDtypeStruct((N_PAD, D), jnp.float32)),
    )(x, W_proj, b_proj, gamma, beta, degp)


def _layer_call(aggp, hs_prev, isd_b, W, b):

    def body(aggp_ref, hs_ref, isd_ref, w_ref, b_ref, out_ref):
        isd = isd_ref[...]
        full = isd * (aggp_ref[0:N_PAD, :] + aggp_ref[N_PAD:2 * N_PAD, :]
                      + hs_ref[...])
        h = jnp.maximum(jnp.dot(full, w_ref[...],
                                preferred_element_type=jnp.float32)
                        + b_ref[...], 0.0)
        out_ref[...] = isd * h

    return pl.pallas_call(
        body,
        out_shape=jax.ShapeDtypeStruct((N_PAD, D), jnp.float32),
    )(aggp, hs_prev, isd_b, W, b)


def _final_call(aggp, hs_prev, isd_b, W1, b1, W_out, b_out):

    def body(aggp_ref, hs_ref, isd_ref, w1_ref, b1_ref, wo_ref, bo_ref,
             out_ref):
        isd = isd_ref[...]
        full = isd * (aggp_ref[0:N_PAD, :] + aggp_ref[N_PAD:2 * N_PAD, :]
                      + hs_ref[...])
        h = jnp.maximum(jnp.dot(full, w1_ref[...],
                                preferred_element_type=jnp.float32)
                        + b1_ref[...], 0.0)
        out = jnp.dot(h[0:N, :], wo_ref[...],
                      preferred_element_type=jnp.float32) + bo_ref[...]
        out_ref[...] = out

    return pl.pallas_call(
        body,
        out_shape=jax.ShapeDtypeStruct((N, 3), jnp.float32),
    )(aggp, hs_prev, isd_b, W1, b1, W_out, b_out)


def kernel(x, edge_index, W_proj, b_proj, gamma, beta, W0, b0, W1, b1,
           W_out, b_out):
    e = edge_index.shape[1]
    pad = jnp.full((E_PAD - e,), N, dtype=edge_index.dtype)
    src_p = jnp.concatenate([edge_index[0], pad])
    dst_p = jnp.concatenate([edge_index[1], pad])
    zeros = jnp.zeros((N_PAD, D), jnp.float32)

    degp = _deg_hist_call(dst_p.reshape(E_PAD // CHUNK, CHUNK))
    hs0, isd_b = _proj_bn_call(x, W_proj, b_proj.reshape(1, D),
                               gamma.reshape(1, D), beta.reshape(1, D), degp)
    agg1 = _edge_scatter_call(hs0, src_p, dst_p, zeros, D)
    hs1 = _layer_call(agg1, hs0, isd_b, W0, b0.reshape(1, D))
    agg2 = _edge_scatter_call(hs1, src_p, dst_p, zeros, D)
    out = _final_call(agg2, hs1, isd_b, W1, b1.reshape(1, D),
                      W_out, b_out.reshape(1, 3))
    return out

# --- scband reference (transcript-rebuilt; emitter-appended) ---
"""Pipeline reference for scband-gcn-23897198035426 (READ-ONLY COPY).

The authoritative reference and input builder live on the scoring server;
editing this copy changes nothing except your own understanding.
"""

import jax, jax.numpy as jnp
import numpy as np

N = 10000
E = 320000
D = 128
H = 128
O = 128
C = 3
EPS = 1e-5


def setup_inputs(seed: int = 0) -> dict:
    key = jax.random.key(seed)
    ks = jax.random.split(key, 12)
    x = jax.random.normal(ks[0], (N, D), dtype=jnp.float32)
    edge_index = jax.random.randint(ks[1], (2, E), 0, N, dtype=jnp.int32)
    W_proj = jax.random.normal(ks[2], (D, H), dtype=jnp.float32) / np.sqrt(D)
    b_proj = jnp.zeros((H,), dtype=jnp.float32)
    gamma = jnp.ones((H,), dtype=jnp.float32)
    beta = jnp.zeros((H,), dtype=jnp.float32)
    W0 = jax.random.normal(ks[3], (H, O), dtype=jnp.float32) / np.sqrt(H)
    b0 = jnp.zeros((O,), dtype=jnp.float32)
    W1 = jax.random.normal(ks[4], (O, O), dtype=jnp.float32) / np.sqrt(O)
    b1 = jnp.zeros((O,), dtype=jnp.float32)
    W_out = jax.random.normal(ks[5], (O, C), dtype=jnp.float32) / np.sqrt(O)
    b_out = jnp.zeros((C,), dtype=jnp.float32)
    return {
        'x': x, 'edge_index': edge_index,
        'W_proj': W_proj, 'b_proj': b_proj,
        'gamma': gamma, 'beta': beta,
        'W0': W0, 'b0': b0, 'W1': W1, 'b1': b1,
        'W_out': W_out, 'b_out': b_out,
    }


def _gcn_layer(h, src, dst, W, b, n_nodes):
    # standard GCN layer: self-loops + symmetric degree normalization + linear + ReLU
    loop = jnp.arange(n_nodes, dtype=src.dtype)
    s = jnp.concatenate([src, loop])
    d = jnp.concatenate([dst, loop])
    deg = jax.ops.segment_sum(jnp.ones_like(d, dtype=jnp.float32), d, num_segments=n_nodes)
    inv_sqrt_deg = jnp.where(deg > 0, jax.lax.rsqrt(jnp.maximum(deg, 1.0)), 0.0)
    coef = inv_sqrt_deg[s] * inv_sqrt_deg[d]
    msgs = h[s] * coef[:, None]
    agg = jax.ops.segment_sum(msgs, d, num_segments=n_nodes)
    return jax.nn.relu(agg @ W + b)


def reference(x, edge_index, W_proj, b_proj, gamma, beta, W0, b0, W1, b1, W_out, b_out):
    n_nodes = x.shape[0]
    # proj + BatchNorm1d (training-mode batch statistics)
    h = x @ W_proj + b_proj
    mean = jnp.mean(h, axis=0)
    var = jnp.var(h, axis=0)
    h = (h - mean) * jax.lax.rsqrt(var + EPS) * gamma + beta
    src = edge_index[0]
    dst = edge_index[1]
    h = _gcn_layer(h, src, dst, W0, b0, n_nodes)
    h = _gcn_layer(h, src, dst, W1, b1, n_nodes)
    out = h @ W_out + b_out
    return jnp.squeeze(out)

if __name__ == "__main__":
    import jax
    _d = setup_inputs()
    print(jax.jit(kernel)(*tuple(_d.values())))

</pallas_src>

<mosaic_0001>
#map = affine_map<(d0, d1) -> (0, 0)>
#map1 = affine_map<(d0, d1) -> (0)>
module attributes {stable_mosaic.version = 14 : i64} {
  func.func @k(%arg0: i32, %arg1: i32, %arg2: memref<2560x128xi32, #tpu.memory_space<hbm>>, %arg3: memref<323584xf32, #tpu.memory_space<hbm>>, %arg4: memref<64x128xi32, #tpu.memory_space<vmem>>, %arg5: memref<10112xf32, #tpu.memory_space<vmem>>) attributes {dimension_semantics = [#tpu.dimension_semantics<core_parallel>, #tpu.dimension_semantics<subcore_parallel>], iteration_bounds = array<i64: 2, 16>, scalar_prefetch = 0 : i64, scratch_operands = 2 : i64, tpu.core_type = #tpu.core_type<sc_vector_subcore>, window_params = [{transform_indices = #map}, {transform_indices = #map1}]} {
    %mul3A = arith.constant 632 : i32
    %mul3A_0 = arith.muli %arg1, %mul3A : i32
    %iota3A = tpu.iota {dimensions = array<i32: 0>} : vector<16xi32>
    %broadcast_in_dim3A = arith.constant 1.000000e+00 : f32
    %broadcast_in_dim3A_1 = vector.broadcast %broadcast_in_dim3A : f32 to vector<16xf32>
    %scan3A = arith.constant 0 : i32
    %scan3A_2 = arith.constant 0 : i32
    %scan3A_3 = arith.constant 632 : i32
    %scan3A_4 = arith.addi %scan3A_2, %scan3A_3 : i32
    %scan3A_5 = arith.constant 1 : i32
    scf.for %scan3A_19 = %scan3A_2 to %scan3A_4 step %scan3A_5  : i32 {
      %broadcast_in_dim3A_20 = arith.constant 0.000000e+00 : f32
      %broadcast_in_dim3A_21 = vector.broadcast %broadcast_in_dim3A_20 : f32 to vector<16xf32>
      %mul3A_22 = arith.constant 16 : i32
      %mul3A_23 = arith.muli %scan3A_19, %mul3A_22 : i32
      %swap3A = arith.index_cast %mul3A_23 : i32 to index
      %swap3A_24 = tpu.vector_load %arg5[%swap3A] {strides = array<i32>} : memref<10112xf32, #tpu.memory_space<vmem>>, vector<16xf32>,
      tpu.vector_store %arg5[%swap3A], %broadcast_in_dim3A_21 {strides = array<i32>} : memref<10112xf32, #tpu.memory_space<vmem>>, vector<16xf32>,
    }
    %scan3A_6 = arith.constant 632 : i32
    %mul3A_7 = arith.constant 1280 : i32
    %mul3A_8 = arith.muli %arg0, %mul3A_7 : i32
    %scan3A_9 = arith.constant 0 : i32
    %scan3A_10 = arith.constant 0 : i32
    %scan3A_11 = arith.constant 20 : i32
    %scan3A_12 = arith.addi %scan3A_10, %scan3A_11 : i32
    %scan3A_13 = arith.constant 1 : i32
    scf.for %scan3A_19 = %scan3A_10 to %scan3A_12 step %scan3A_13  : i32 {
      %mul3A_20 = arith.constant 64 : i32
      %mul3A_21 = arith.muli %scan3A_19, %mul3A_20 : i32
      %add3A_22 = arith.addi %mul3A_8, %mul3A_21 : i32
      "tpu.region"() ({
        %run_scoped3A = tpu.sem_alloc : memref<!tpu.dma_semaphore, #tpu.memory_space<semaphore_mem>>
        %dma_start3A = arith.constant 0 : i32
        %dma_start3A_29 = tpu.memref_slice %arg2[%add3A_22, %dma_start3A] : memref<2560x128xi32, #tpu.memory_space<hbm>> -> memref<64x128xi32, #tpu.memory_space<hbm>>
        %dma_start3A_30 = arith.constant 0 : i32
        %dma_start3A_31 = tpu.memref_slice %arg2[%add3A_22, %dma_start3A_30] : memref<2560x128xi32, #tpu.memory_space<hbm>> -> memref<64x128xi32, #tpu.memory_space<hbm>>
        tpu.enqueue_dma source(%dma_start3A_31 : memref<64x128xi32, #tpu.memory_space<hbm>>) target(%arg4 : memref<64x128xi32, #tpu.memory_space<vmem>>) target_semaphore(%run_scoped3A : memref<!tpu.dma_semaphore, #tpu.memory_space<semaphore_mem>>)
        %dma_wait3A = arith.constant 0 : i32
        %dma_wait3A_32 = tpu.memref_slice %arg2[%add3A_22, %dma_wait3A] : memref<2560x128xi32, #tpu.memory_space<hbm>> -> memref<64x128xi32, #tpu.memory_space<hbm>>
        %dma_wait3A_33 = arith.constant 0 : i32
        %dma_wait3A_34 = tpu.memref_slice %arg2[%add3A_22, %dma_wait3A_33] : memref<2560x128xi32, #tpu.memory_space<hbm>> -> memref<64x128xi32, #tpu.memory_space<hbm>>
        tpu.wait_dma2 semaphore(%run_scoped3A : memref<!tpu.dma_semaphore, #tpu.memory_space<semaphore_mem>>) src(%dma_wait3A_34 : memref<64x128xi32, #tpu.memory_space<hbm>>) dst(%arg4 : memref<64x128xi32, #tpu.memory_space<vmem>>)
        tpu.yield
      }) : () -> ()
      %scan3A_23 = arith.constant 0 : i32
      %scan3A_24 = arith.constant 0 : i32
      %scan3A_25 = arith.constant 64 : i32
      %scan3A_26 = arith.addi %scan3A_24, %scan3A_25 : i32
      %scan3A_27 = arith.constant 1 : i32
      scf.for %scan3A_29 = %scan3A_24 to %scan3A_26 step %scan3A_27  : i32 {
        %get3A = arith.index_cast %scan3A_29 : i32 to index
        %get3A_30 = arith.constant 0 : index
        %get3A_31 = tpu.vector_load %arg4[%get3A, %get3A_30] {strides = array<i32>} : memref<64x128xi32, #tpu.memory_space<vmem>>, vector<16xi32>,
        %sub3A = vector.broadcast %mul3A_0 : i32 to vector<16xi32>
        %sub3A_32 = arith.subi %get3A_31, %sub3A : vector<16xi32>
        %jit3A = arith.constant 0 : i32
        %jit3A_33 = arith.constant 631 : i32
        %max3A = vector.broadcast %jit3A : i32 to vector<16xi32>
        %max3A_34 = arith.maxsi %max3A, %sub3A_32 : vector<16xi32>
        %min3A = vector.broadcast %jit3A_33 : i32 to vector<16xi32>
        %min3A_35 = arith.minsi %min3A, %max3A_34 : vector<16xi32>
        %ge3A = vector.broadcast %mul3A_0 : i32 to vector<16xi32>
        %ge3A_36 = arith.cmpi sge, %get3A_31, %ge3A : vector<16xi32>
        %add3A_37 = arith.constant 632 : i32
        %add3A_38 = arith.addi %mul3A_0, %add3A_37 : i32
        %lt3A = vector.broadcast %add3A_38 : i32 to vector<16xi32>
        %lt3A_39 = arith.cmpi slt, %get3A_31, %lt3A : vector<16xi32>
        %and3A = arith.andi %ge3A_36, %lt3A_39 : vector<16xi1>
        %mul3A_40 = arith.constant 16 : i32
        %mul3A_41 = vector.broadcast %mul3A_40 : i32 to vector<16xi32>
        %mul3A_42 = arith.muli %min3A_35, %mul3A_41 : vector<16xi32>
        %add3A_43 = arith.addi %mul3A_42, %iota3A : vector<16xi32>
        tpu.vector_store_idx %arg5[%add3A_43], %broadcast_in_dim3A_1 masked %and3A {add = true} : memref<10112xf32, #tpu.memory_space<vmem>>[vector<16xi32>], vector<16xf32>, vector<16xi1>
        %get3A_44 = arith.index_cast %scan3A_29 : i32 to index
        %get3A_45 = arith.constant 16 : index
        %get3A_46 = tpu.vector_load %arg4[%get3A_44, %get3A_45] {strides = array<i32>} : memref<64x128xi32, #tpu.memory_space<vmem>>, vector<16xi32>,
        %sub3A_47 = vector.broadcast %mul3A_0 : i32 to vector<16xi32>
        %sub3A_48 = arith.subi %get3A_46, %sub3A_47 : vector<16xi32>
        %jit3A_49 = arith.constant 0 : i32
        %jit3A_50 = arith.constant 631 : i32
        %max3A_51 = vector.broadcast %jit3A_49 : i32 to vector<16xi32>
        %max3A_52 = arith.maxsi %max3A_51, %sub3A_48 : vector<16xi32>
        %min3A_53 = vector.broadcast %jit3A_50 : i32 to vector<16xi32>
        %min3A_54 = arith.minsi %min3A_53, %max3A_52 : vector<16xi32>
        %ge3A_55 = vector.broadcast %mul3A_0 : i32 to vector<16xi32>
        %ge3A_56 = arith.cmpi sge, %get3A_46, %ge3A_55 : vector<16xi32>
        %add3A_57 = arith.constant 632 : i32
        %add3A_58 = arith.addi %mul3A_0, %add3A_57 : i32
        %lt3A_59 = vector.broadcast %add3A_58 : i32 to vector<16xi32>
        %lt3A_60 = arith.cmpi slt, %get3A_46, %lt3A_59 : vector<16xi32>
        %and3A_61 = arith.andi %ge3A_56, %lt3A_60 : vector<16xi1>
        %mul3A_62 = arith.constant 16 : i32
        %mul3A_63 = vector.broadcast %mul3A_62 : i32 to vector<16xi32>
        %mul3A_64 = arith.muli %min3A_54, %mul3A_63 : vector<16xi32>
        %add3A_65 = arith.addi %mul3A_64, %iota3A : vector<16xi32>
        tpu.vector_store_idx %arg5[%add3A_65], %broadcast_in_dim3A_1 masked %and3A_61 {add = true} : memref<10112xf32, #tpu.memory_space<vmem>>[vector<16xi32>], vector<16xf32>, vector<16xi1>
        %get3A_66 = arith.index_cast %scan3A_29 : i32 to index
        %get3A_67 = arith.constant 32 : index
        %get3A_68 = tpu.vector_load %arg4[%get3A_66, %get3A_67] {strides = array<i32>} : memref<64x128xi32, #tpu.memory_space<vmem>>, vector<16xi32>,
        %sub3A_69 = vector.broadcast %mul3A_0 : i32 to vector<16xi32>
        %sub3A_70 = arith.subi %get3A_68, %sub3A_69 : vector<16xi32>
        %jit3A_71 = arith.constant 0 : i32
        %jit3A_72 = arith.constant 631 : i32
        %max3A_73 = vector.broadcast %jit3A_71 : i32 to vector<16xi32>
        %max3A_74 = arith.maxsi %max3A_73, %sub3A_70 : vector<16xi32>
        %min3A_75 = vector.broadcast %jit3A_72 : i32 to vector<16xi32>
        %min3A_76 = arith.minsi %min3A_75, %max3A_74 : vector<16xi32>
        %ge3A_77 = vector.broadcast %mul3A_0 : i32 to vector<16xi32>
        %ge3A_78 = arith.cmpi sge, %get3A_68, %ge3A_77 : vector<16xi32>
        %add3A_79 = arith.constant 632 : i32
        %add3A_80 = arith.addi %mul3A_0, %add3A_79 : i32
        %lt3A_81 = vector.broadcast %add3A_80 : i32 to vector<16xi32>
        %lt3A_82 = arith.cmpi slt, %get3A_68, %lt3A_81 : vector<16xi32>
        %and3A_83 = arith.andi %ge3A_78, %lt3A_82 : vector<16xi1>
        %mul3A_84 = arith.constant 16 : i32
        %mul3A_85 = vector.broadcast %mul3A_84 : i32 to vector<16xi32>
        %mul3A_86 = arith.muli %min3A_76, %mul3A_85 : vector<16xi32>
        %add3A_87 = arith.addi %mul3A_86, %iota3A : vector<16xi32>
        tpu.vector_store_idx %arg5[%add3A_87], %broadcast_in_dim3A_1 masked %and3A_83 {add = true} : memref<10112xf32, #tpu.memory_space<vmem>>[vector<16xi32>], vector<16xf32>, vector<16xi1>
        %get3A_88 = arith.index_cast %scan3A_29 : i32 to index
        %get3A_89 = arith.constant 48 : index
        %get3A_90 = tpu.vector_load %arg4[%get3A_88, %get3A_89] {strides = array<i32>} : memref<64x128xi32, #tpu.memory_space<vmem>>, vector<16xi32>,
        %sub3A_91 = vector.broadcast %mul3A_0 : i32 to vector<16xi32>
        %sub3A_92 = arith.subi %get3A_90, %sub3A_91 : vector<16xi32>
        %jit3A_93 = arith.constant 0 : i32
        %jit3A_94 = arith.constant 631 : i32
        %max3A_95 = vector.broadcast %jit3A_93 : i32 to vector<16xi32>
        %max3A_96 = arith.maxsi %max3A_95, %sub3A_92 : vector<16xi32>
        %min3A_97 = vector.broadcast %jit3A_94 : i32 to vector<16xi32>
        %min3A_98 = arith.minsi %min3A_97, %max3A_96 : vector<16xi32>
        %ge3A_99 = vector.broadcast %mul3A_0 : i32 to vector<16xi32>
        %ge3A_100 = arith.cmpi sge, %get3A_90, %ge3A_99 : vector<16xi32>
        %add3A_101 = arith.constant 632 : i32
        %add3A_102 = arith.addi %mul3A_0, %add3A_101 : i32
        %lt3A_103 = vector.broadcast %add3A_102 : i32 to vector<16xi32>
        %lt3A_104 = arith.cmpi slt, %get3A_90, %lt3A_103 : vector<16xi32>
        %and3A_105 = arith.andi %ge3A_100, %lt3A_104 : vector<16xi1>
        %mul3A_106 = arith.constant 16 : i32
        %mul3A_107 = vector.broadcast %mul3A_106 : i32 to vector<16xi32>
        %mul3A_108 = arith.muli %min3A_98, %mul3A_107 : vector<16xi32>
        %add3A_109 = arith.addi %mul3A_108, %iota3A : vector<16xi32>
        tpu.vector_store_idx %arg5[%add3A_109], %broadcast_in_dim3A_1 masked %and3A_105 {add = true} : memref<10112xf32, #tpu.memory_space<vmem>>[vector<16xi32>], vector<16xf32>, vector<16xi1>
        %get3A_110 = arith.index_cast %scan3A_29 : i32 to index
        %get3A_111 = arith.constant 64 : index
        %get3A_112 = tpu.vector_load %arg4[%get3A_110, %get3A_111] {strides = array<i32>} : memref<64x128xi32, #tpu.memory_space<vmem>>, vector<16xi32>,
        %sub3A_113 = vector.broadcast %mul3A_0 : i32 to vector<16xi32>
        %sub3A_114 = arith.subi %get3A_112, %sub3A_113 : vector<16xi32>
        %jit3A_115 = arith.constant 0 : i32
        %jit3A_116 = arith.constant 631 : i32
        %max3A_117 = vector.broadcast %jit3A_115 : i32 to vector<16xi32>
        %max3A_118 = arith.maxsi %max3A_117, %sub3A_114 : vector<16xi32>
        %min3A_119 = vector.broadcast %jit3A_116 : i32 to vector<16xi32>
        %min3A_120 = arith.minsi %min3A_119, %max3A_118 : vector<16xi32>
        %ge3A_121 = vector.broadcast %mul3A_0 : i32 to vector<16xi32>
        %ge3A_122 = arith.cmpi sge, %get3A_112, %ge3A_121 : vector<16xi32>
        %add3A_123 = arith.constant 632 : i32
        %add3A_124 = arith.addi %mul3A_0, %add3A_123 : i32
        %lt3A_125 = vector.broadcast %add3A_124 : i32 to vector<16xi32>
        %lt3A_126 = arith.cmpi slt, %get3A_112, %lt3A_125 : vector<16xi32>
        %and3A_127 = arith.andi %ge3A_122, %lt3A_126 : vector<16xi1>
        %mul3A_128 = arith.constant 16 : i32
        %mul3A_129 = vector.broadcast %mul3A_128 : i32 to vector<16xi32>
        %mul3A_130 = arith.muli %min3A_120, %mul3A_129 : vector<16xi32>
        %add3A_131 = arith.addi %mul3A_130, %iota3A : vector<16xi32>
        tpu.vector_store_idx %arg5[%add3A_131], %broadcast_in_dim3A_1 masked %and3A_127 {add = true} : memref<10112xf32, #tpu.memory_space<vmem>>[vector<16xi32>], vector<16xf32>, vector<16xi1>
        %get3A_132 = arith.index_cast %scan3A_29 : i32 to index
        %get3A_133 = arith.constant 80 : index
        %get3A_134 = tpu.vector_load %arg4[%get3A_132, %get3A_133] {strides = array<i32>} : memref<64x128xi32, #tpu.memory_space<vmem>>, vector<16xi32>,
        %sub3A_135 = vector.broadcast %mul3A_0 : i32 to vector<16xi32>
        %sub3A_136 = arith.subi %get3A_134, %sub3A_135 : vector<16xi32>
        %jit3A_137 = arith.constant 0 : i32
        %jit3A_138 = arith.constant 631 : i32
        %max3A_139 = vector.broadcast %jit3A_137 : i32 to vector<16xi32>
        %max3A_140 = arith.maxsi %max3A_139, %sub3A_136 : vector<16xi32>
        %min3A_141 = vector.broadcast %jit3A_138 : i32 to vector<16xi32>
        %min3A_142 = arith.minsi %min3A_141, %max3A_140 : vector<16xi32>
        %ge3A_143 = vector.broadcast %mul3A_0 : i32 to vector<16xi32>
        %ge3A_144 = arith.cmpi sge, %get3A_134, %ge3A_143 : vector<16xi32>
        %add3A_145 = arith.constant 632 : i32
        %add3A_146 = arith.addi %mul3A_0, %add3A_145 : i32
        %lt3A_147 = vector.broadcast %add3A_146 : i32 to vector<16xi32>
        %lt3A_148 = arith.cmpi slt, %get3A_134, %lt3A_147 : vector<16xi32>
        %and3A_149 = arith.andi %ge3A_144, %lt3A_148 : vector<16xi1>
        %mul3A_150 = arith.constant 16 : i32
        %mul3A_151 = vector.broadcast %mul3A_150 : i32 to vector<16xi32>
        %mul3A_152 = arith.muli %min3A_142, %mul3A_151 : vector<16xi32>
        %add3A_153 = arith.addi %mul3A_152, %iota3A : vector<16xi32>
        tpu.vector_store_idx %arg5[%add3A_153], %broadcast_in_dim3A_1 masked %and3A_149 {add = true} : memref<10112xf32, #tpu.memory_space<vmem>>[vector<16xi32>], vector<16xf32>, vector<16xi1>
        %get3A_154 = arith.index_cast %scan3A_29 : i32 to index
        %get3A_155 = arith.constant 96 : index
        %get3A_156 = tpu.vector_load %arg4[%get3A_154, %get3A_155] {strides = array<i32>} : memref<64x128xi32, #tpu.memory_space<vmem>>, vector<16xi32>,
        %sub3A_157 = vector.broadcast %mul3A_0 : i32 to vector<16xi32>
        %sub3A_158 = arith.subi %get3A_156, %sub3A_157 : vector<16xi32>
        %jit3A_159 = arith.constant 0 : i32
        %jit3A_160 = arith.constant 631 : i32
        %max3A_161 = vector.broadcast %jit3A_159 : i32 to vector<16xi32>
        %max3A_162 = arith.maxsi %max3A_161, %sub3A_158 : vector<16xi32>
        %min3A_163 = vector.broadcast %jit3A_160 : i32 to vector<16xi32>
        %min3A_164 = arith.minsi %min3A_163, %max3A_162 : vector<16xi32>
        %ge3A_165 = vector.broadcast %mul3A_0 : i32 to vector<16xi32>
        %ge3A_166 = arith.cmpi sge, %get3A_156, %ge3A_165 : vector<16xi32>
        %add3A_167 = arith.constant 632 : i32
        %add3A_168 = arith.addi %mul3A_0, %add3A_167 : i32
        %lt3A_169 = vector.broadcast %add3A_168 : i32 to vector<16xi32>
        %lt3A_170 = arith.cmpi slt, %get3A_156, %lt3A_169 : vector<16xi32>
        %and3A_171 = arith.andi %ge3A_166, %lt3A_170 : vector<16xi1>
        %mul3A_172 = arith.constant 16 : i32
        %mul3A_173 = vector.broadcast %mul3A_172 : i32 to vector<16xi32>
        %mul3A_174 = arith.muli %min3A_164, %mul3A_173 : vector<16xi32>
        %add3A_175 = arith.addi %mul3A_174, %iota3A : vector<16xi32>
        tpu.vector_store_idx %arg5[%add3A_175], %broadcast_in_dim3A_1 masked %and3A_171 {add = true} : memref<10112xf32, #tpu.memory_space<vmem>>[vector<16xi32>], vector<16xf32>, vector<16xi1>
        %get3A_176 = arith.index_cast %scan3A_29 : i32 to index
        %get3A_177 = arith.constant 112 : index
        %get3A_178 = tpu.vector_load %arg4[%get3A_176, %get3A_177] {strides = array<i32>} : memref<64x128xi32, #tpu.memory_space<vmem>>, vector<16xi32>,
        %sub3A_179 = vector.broadcast %mul3A_0 : i32 to vector<16xi32>
        %sub3A_180 = arith.subi %get3A_178, %sub3A_179 : vector<16xi32>
        %jit3A_181 = arith.constant 0 : i32
        %jit3A_182 = arith.constant 631 : i32
        %max3A_183 = vector.broadcast %jit3A_181 : i32 to vector<16xi32>
        %max3A_184 = arith.maxsi %max3A_183, %sub3A_180 : vector<16xi32>
        %min3A_185 = vector.broadcast %jit3A_182 : i32 to vector<16xi32>
        %min3A_186 = arith.minsi %min3A_185, %max3A_184 : vector<16xi32>
        %ge3A_187 = vector.broadcast %mul3A_0 : i32 to vector<16xi32>
        %ge3A_188 = arith.cmpi sge, %get3A_178, %ge3A_187 : vector<16xi32>
        %add3A_189 = arith.constant 632 : i32
        %add3A_190 = arith.addi %mul3A_0, %add3A_189 : i32
        %lt3A_191 = vector.broadcast %add3A_190 : i32 to vector<16xi32>
        %lt3A_192 = arith.cmpi slt, %get3A_178, %lt3A_191 : vector<16xi32>
        %and3A_193 = arith.andi %ge3A_188, %lt3A_192 : vector<16xi1>
        %mul3A_194 = arith.constant 16 : i32
        %mul3A_195 = vector.broadcast %mul3A_194 : i32 to vector<16xi32>
        %mul3A_196 = arith.muli %min3A_186, %mul3A_195 : vector<16xi32>
        %add3A_197 = arith.addi %mul3A_196, %iota3A : vector<16xi32>
        tpu.vector_store_idx %arg5[%add3A_197], %broadcast_in_dim3A_1 masked %and3A_193 {add = true} : memref<10112xf32, #tpu.memory_space<vmem>>[vector<16xi32>], vector<16xf32>, vector<16xi1>
      }
      %scan3A_28 = arith.constant 64 : i32
    }
    %scan3A_14 = arith.constant 20 : i32
    %mul3A_15 = arith.constant 10112 : i32
    %mul3A_16 = arith.muli %arg0, %mul3A_15 : i32
    %add3A = arith.addi %mul3A_16, %mul3A_0 : i32
    %mul3A_17 = arith.constant 16 : i32
    %mul3A_18 = arith.muli %add3A, %mul3A_17 : i32
    "tpu.region"() ({
      %run_scoped3A = tpu.sem_alloc : memref<!tpu.dma_semaphore, #tpu.memory_space<semaphore_mem>>
      %dma_start3A = tpu.memref_slice %arg3[%mul3A_18] : memref<323584xf32, #tpu.memory_space<hbm>> -> memref<10112xf32, #tpu.memory_space<hbm>>
      %dma_start3A_19 = tpu.memref_slice %arg3[%mul3A_18] : memref<323584xf32, #tpu.memory_space<hbm>> -> memref<10112xf32, #tpu.memory_space<hbm>>
      tpu.enqueue_dma source(%arg5 : memref<10112xf32, #tpu.memory_space<vmem>>) target(%dma_start3A_19 : memref<10112xf32, #tpu.memory_space<hbm>>) target_semaphore(%run_scoped3A : memref<!tpu.dma_semaphore, #tpu.memory_space<semaphore_mem>>)
      %dma_wait3A = tpu.memref_slice %arg3[%mul3A_18] : memref<323584xf32, #tpu.memory_space<hbm>> -> memref<10112xf32, #tpu.memory_space<hbm>>
      %dma_wait3A_20 = tpu.memref_slice %arg3[%mul3A_18] : memref<323584xf32, #tpu.memory_space<hbm>> -> memref<10112xf32, #tpu.memory_space<hbm>>
      tpu.wait_dma2 semaphore(%run_scoped3A : memref<!tpu.dma_semaphore, #tpu.memory_space<semaphore_mem>>) src(%arg5 : memref<10112xf32, #tpu.memory_space<vmem>>) dst(%dma_wait3A_20 : memref<10112xf32, #tpu.memory_space<hbm>>)
      tpu.yield
    }) : () -> ()
    return
  }
}

#map = affine_map<(d0, d1) -> (0, 0)>
#map1 = affine_map<(d0, d1) -> (0)>
module attributes {stable_mosaic.version = 14 : i64} {
  func.func @k(%arg0: i32, %arg1: i32, %arg2: memref<10112x128xf32, #tpu.memory_space<hbm>>, %arg3: memref<327680xi32, #tpu.memory_space<hbm>>, %arg4: memref<327680xi32, #tpu.memory_space<hbm>>, %arg5: memref<10112x128xf32, #tpu.memory_space<hbm>>, %arg6: memref<20224x128xf32, #tpu.memory_space<hbm>>, %arg7: memref<128xi32, #tpu.memory_space<vmem>>, %arg8: memref<128xi32, #tpu.memory_space<vmem>>, %arg9: memref<128xi32, #tpu.memory_space<vmem>>, %arg10: memref<128xi32, #tpu.memory_space<vmem>>, %arg11: memref<128x128xf32, #tpu.memory_space<vmem>>, %arg12: memref<128x128xf32, #tpu.memory_space<vmem>>, %arg13: memref<!tpu.dma_semaphore, #tpu.memory_space<semaphore_mem>>, %arg14: memref<!tpu.dma_semaphore, #tpu.memory_space<semaphore_mem>>, %arg15: memref<!tpu.dma_semaphore, #tpu.memory_space<semaphore_mem>>, %arg16: memref<10112x128xf32, #tpu.memory_space<vmem_shared>>) attributes {dimension_semantics = [#tpu.dimension_semantics<core_parallel>, #tpu.dimension_semantics<subcore_parallel>], iteration_bounds = array<i64: 2, 16>, scalar_prefetch = 0 : i64, scratch_operands = 10 : i64, tpu.core_type = #tpu.core_type<sc_vector_subcore>, window_params = [{transform_indices = #map}, {transform_indices = #map1}, {transform_indices = #map1}, {transform_indices = #map}, {transform_indices = #map}]} {
    %mul3A = arith.constant 632 : i32
    %mul3A_0 = arith.muli %arg1, %mul3A : i32
    "tpu.region"() ({
      %run_scoped3A = tpu.sem_alloc : memref<!tpu.dma_semaphore, #tpu.memory_space<semaphore_mem>>
      %dma_start3A_72 = arith.constant 0 : i32
      %dma_start3A_73 = tpu.memref_slice %arg16[%mul3A_0, %dma_start3A_72] : memref<10112x128xf32, #tpu.memory_space<vmem_shared>> -> memref<632x128xf32, #tpu.memory_space<vmem_shared>>
      %dma_start3A_74 = arith.constant 0 : i32
      %dma_start3A_75 = tpu.memref_slice %arg5[%mul3A_0, %dma_start3A_74] : memref<10112x128xf32, #tpu.memory_space<hbm>> -> memref<632x128xf32, #tpu.memory_space<hbm>>
      tpu.enqueue_dma source(%dma_start3A_75 : memref<632x128xf32, #tpu.memory_space<hbm>>) target(%dma_start3A_73 : memref<632x128xf32, #tpu.memory_space<vmem_shared>>) target_semaphore(%run_scoped3A : memref<!tpu.dma_semaphore, #tpu.memory_space<semaphore_mem>>)
      %dma_wait3A_76 = arith.constant 0 : i32
      %dma_wait3A_77 = tpu.memref_slice %arg16[%mul3A_0, %dma_wait3A_76] : memref<10112x128xf32, #tpu.memory_space<vmem_shared>> -> memref<632x128xf32, #tpu.memory_space<vmem_shared>>
      %dma_wait3A_78 = arith.constant 0 : i32
      %dma_wait3A_79 = tpu.memref_slice %arg5[%mul3A_0, %dma_wait3A_78] : memref<10112x128xf32, #tpu.memory_space<hbm>> -> memref<632x128xf32, #tpu.memory_space<hbm>>
      tpu.wait_dma2 semaphore(%run_scoped3A : memref<!tpu.dma_semaphore, #tpu.memory_space<semaphore_mem>>) src(%dma_wait3A_79 : memref<632x128xf32, #tpu.memory_space<hbm>>) dst(%dma_wait3A_77 : memref<632x128xf32, #tpu.memory_space<vmem_shared>>)
      tpu.yield
    }) : () -> ()
    %barrier3A = arith.constant 0 : index
    tpu.barrier barrier_id(%barrier3A)
    %eq3A = arith.constant 0 : i32
    %eq3A_1 = arith.cmpi eq, %arg0, %eq3A : i32
    %jit3A = arith.constant 120 : i32
    %jit3A_2 = arith.constant 40 : i32
    %select_n3A = arith.select %eq3A_1, %jit3A, %jit3A_2 : i32
    %eq3A_3 = arith.constant 0 : i32
    %eq3A_4 = arith.cmpi eq, %arg0, %eq3A_3 : i32
    %mul3A_5 = arith.constant 120 : i32
    %mul3A_6 = arith.muli %arg1, %mul3A_5 : i32
    %mul3A_7 = arith.constant 40 : i32
    %mul3A_8 = arith.muli %arg1, %mul3A_7 : i32
    %add3A = arith.constant 1920 : i32
    %add3A_9 = arith.addi %add3A, %mul3A_8 : i32
    %select_n3A_10 = arith.select %eq3A_4, %mul3A_6, %add3A_9 : i32
    %mul3A_11 = arith.constant 128 : i32
    %mul3A_12 = arith.muli %select_n3A_10, %mul3A_11 : i32
    %add3A_13 = arith.constant 0 : i32
    %add3A_14 = arith.addi %mul3A_12, %add3A_13 : i32
    "tpu.region"() ({
      %run_scoped3A = tpu.sem_alloc : memref<!tpu.dma_semaphore, #tpu.memory_space<semaphore_mem>>
      %dma_start3A_72 = tpu.memref_slice %arg3[%add3A_14] : memref<327680xi32, #tpu.memory_space<hbm>> -> memref<128xi32, #tpu.memory_space<hbm>>
      %dma_start3A_73 = tpu.memref_slice %arg3[%add3A_14] : memref<327680xi32, #tpu.memory_space<hbm>> -> memref<128xi32, #tpu.memory_space<hbm>>
      tpu.enqueue_dma source(%dma_start3A_73 : memref<128xi32, #tpu.memory_space<hbm>>) target(%arg7 : memref<128xi32, #tpu.memory_space<vmem>>) target_semaphore(%run_scoped3A : memref<!tpu.dma_semaphore, #tpu.memory_space<semaphore_mem>>)
      %dma_wait3A_74 = tpu.memref_slice %arg3[%add3A_14] : memref<327680xi32, #tpu.memory_space<hbm>> -> memref<128xi32, #tpu.memory_space<hbm>>
      %dma_wait3A_75 = tpu.memref_slice %arg3[%add3A_14] : memref<327680xi32, #tpu.memory_space<hbm>> -> memref<128xi32, #tpu.memory_space<hbm>>
      tpu.wait_dma2 semaphore(%run_scoped3A : memref<!tpu.dma_semaphore, #tpu.memory_space<semaphore_mem>>) src(%dma_wait3A_75 : memref<128xi32, #tpu.memory_space<hbm>>) dst(%arg7 : memref<128xi32, #tpu.memory_space<vmem>>)
      tpu.yield
    }) : () -> ()
    "tpu.region"() ({
      %run_scoped3A = tpu.sem_alloc : memref<!tpu.dma_semaphore, #tpu.memory_space<semaphore_mem>>
      %dma_start3A_72 = tpu.memref_slice %arg4[%add3A_14] : memref<327680xi32, #tpu.memory_space<hbm>> -> memref<128xi32, #tpu.memory_space<hbm>>
      %dma_start3A_73 = tpu.memref_slice %arg4[%add3A_14] : memref<327680xi32, #tpu.memory_space<hbm>> -> memref<128xi32, #tpu.memory_space<hbm>>
      tpu.enqueue_dma source(%dma_start3A_73 : memref<128xi32, #tpu.memory_space<hbm>>) target(%arg8 : memref<128xi32, #tpu.memory_space<vmem>>) target_semaphore(%run_scoped3A : memref<!tpu.dma_semaphore, #tpu.memory_space<semaphore_mem>>)
      %dma_wait3A_74 = tpu.memref_slice %arg4[%add3A_14] : memref<327680xi32, #tpu.memory_space<hbm>> -> memref<128xi32, #tpu.memory_space<hbm>>
      %dma_wait3A_75 = tpu.memref_slice %arg4[%add3A_14] : memref<327680xi32, #tpu.memory_space<hbm>> -> memref<128xi32, #tpu.memory_space<hbm>>
      tpu.wait_dma2 semaphore(%run_scoped3A : memref<!tpu.dma_semaphore, #tpu.memory_space<semaphore_mem>>) src(%dma_wait3A_75 : memref<128xi32, #tpu.memory_space<hbm>>) dst(%arg8 : memref<128xi32, #tpu.memory_space<vmem>>)
      tpu.yield
    }) : () -> ()
    %dma_start3A = arith.constant 0 : i32
    %dma_start3A_15 = arith.constant 0 : i32
    %dma_start3A_16 = tpu.memref_slice %arg2[%dma_start3A, %dma_start3A_15] : memref<10112x128xf32, #tpu.memory_space<hbm>> -> memref<10112x128xf32, #tpu.memory_space<hbm>>
    tpu.enqueue_indirect_dma source(%dma_start3A_16 : memref<10112x128xf32, #tpu.memory_space<hbm>>) target(%arg11 : memref<128x128xf32, #tpu.memory_space<vmem>>) offsets(%arg7 : memref<128xi32, #tpu.memory_space<vmem>>) semaphore(%arg13 : memref<!tpu.dma_semaphore, #tpu.memory_space<semaphore_mem>>)
    %add3A_17 = arith.constant 128 : i32
    %add3A_18 = arith.addi %mul3A_12, %add3A_17 : i32
    "tpu.region"() ({
      %run_scoped3A = tpu.sem_alloc : memref<!tpu.dma_semaphore, #tpu.memory_space<semaphore_mem>>
      %dma_start3A_72 = tpu.memref_slice %arg3[%add3A_18] : memref<327680xi32, #tpu.memory_space<hbm>> -> memref<128xi32, #tpu.memory_space<hbm>>
      %dma_start3A_73 = tpu.memref_slice %arg3[%add3A_18] : memref<327680xi32, #tpu.memory_space<hbm>> -> memref<128xi32, #tpu.memory_space<hbm>>
      tpu.enqueue_dma source(%dma_start3A_73 : memref<128xi32, #tpu.memory_space<hbm>>) target(%arg9 : memref<128xi32, #tpu.memory_space<vmem>>) target_semaphore(%run_scoped3A : memref<!tpu.dma_semaphore, #tpu.memory_space<semaphore_mem>>)
      %dma_wait3A_74 = tpu.memref_slice %arg3[%add3A_18] : memref<327680xi32, #tpu.memory_space<hbm>> -> memref<128xi32, #tpu.memory_space<hbm>>
      %dma_wait3A_75 = tpu.memref_slice %arg3[%add3A_18] : memref<327680xi32, #tpu.memory_space<hbm>> -> memref<128xi32, #tpu.memory_space<hbm>>
      tpu.wait_dma2 semaphore(%run_scoped3A : memref<!tpu.dma_semaphore, #tpu.memory_space<semaphore_mem>>) src(%dma_wait3A_75 : memref<128xi32, #tpu.memory_space<hbm>>) dst(%arg9 : memref<128xi32, #tpu.memory_space<vmem>>)
      tpu.yield
    }) : () -> ()
    "tpu.region"() ({
      %run_scoped3A = tpu.sem_alloc : memref<!tpu.dma_semaphore, #tpu.memory_space<semaphore_mem>>
      %dma_start3A_72 = tpu.memref_slice %arg4[%add3A_18] : memref<327680xi32, #tpu.memory_space<hbm>> -> memref<128xi32, #tpu.memory_space<hbm>>
      %dma_start3A_73 = tpu.memref_slice %arg4[%add3A_18] : memref<327680xi32, #tpu.memory_space<hbm>> -> memref<128xi32, #tpu.memory_space<hbm>>
      tpu.enqueue_dma source(%dma_start3A_73 : memref<128xi32, #tpu.memory_space<hbm>>) target(%arg10 : memref<128xi32, #tpu.memory_space<vmem>>) target_semaphore(%run_scoped3A : memref<!tpu.dma_semaphore, #tpu.memory_space<semaphore_mem>>)
      %dma_wait3A_74 = tpu.memref_slice %arg4[%add3A_18] : memref<327680xi32, #tpu.memory_space<hbm>> -> memref<128xi32, #tpu.memory_space<hbm>>
      %dma_wait3A_75 = tpu.memref_slice %arg4[%add3A_18] : memref<327680xi32, #tpu.memory_space<hbm>> -> memref<128xi32, #tpu.memory_space<hbm>>
      tpu.wait_dma2 semaphore(%run_scoped3A : memref<!tpu.dma_semaphore, #tpu.memory_space<semaphore_mem>>) src(%dma_wait3A_75 : memref<128xi32, #tpu.memory_space<hbm>>) dst(%arg10 : memref<128xi32, #tpu.memory_space<vmem>>)
      tpu.yield
    }) : () -> ()
    %dma_start3A_19 = arith.constant 0 : i32
    %dma_start3A_20 = arith.constant 0 : i32
    %dma_start3A_21 = tpu.memref_slice %arg2[%dma_start3A_19, %dma_start3A_20] : memref<10112x128xf32, #tpu.memory_space<hbm>> -> memref<10112x128xf32, #tpu.memory_space<hbm>>
    tpu.enqueue_indirect_dma source(%dma_start3A_21 : memref<10112x128xf32, #tpu.memory_space<hbm>>) target(%arg12 : memref<128x128xf32, #tpu.memory_space<vmem>>) offsets(%arg9 : memref<128xi32, #tpu.memory_space<vmem>>) semaphore(%arg14 : memref<!tpu.dma_semaphore, #tpu.memory_space<semaphore_mem>>)
    %dma_wait3A = arith.constant 0 : i32
    %dma_wait3A_22 = arith.constant 0 : i32
    %dma_wait3A_23 = tpu.memref_slice %arg2[%dma_wait3A, %dma_wait3A_22] : memref<10112x128xf32, #tpu.memory_space<hbm>> -> memref<10112x128xf32, #tpu.memory_space<hbm>>
    tpu.wait_indirect_dma semaphore(%arg13 : memref<!tpu.dma_semaphore, #tpu.memory_space<semaphore_mem>>) src(%dma_wait3A_23 : memref<10112x128xf32, #tpu.memory_space<hbm>>) dst(%arg11 : memref<128x128xf32, #tpu.memory_space<vmem>>)
    %dma_start3A_24 = arith.constant 0 : i32
    %dma_start3A_25 = arith.constant 0 : i32
    %dma_start3A_26 = tpu.memref_slice %arg16[%dma_start3A_24, %dma_start3A_25] : memref<10112x128xf32, #tpu.memory_space<vmem_shared>> -> memref<10112x128xf32, #tpu.memory_space<vmem_shared>>
    tpu.enqueue_indirect_dma source(%arg11 : memref<128x128xf32, #tpu.memory_space<vmem>>) target(%dma_start3A_26 : memref<10112x128xf32, #tpu.memory_space<vmem_shared>>) offsets(%arg8 : memref<128xi32, #tpu.memory_space<vmem>>) semaphore(%arg15 : memref<!tpu.dma_semaphore, #tpu.memory_space<semaphore_mem>>) {add = true}
    %sub3A = arith.constant 2 : i32
    %sub3A_27 = arith.subi %select_n3A, %sub3A : i32
    %jit3A_28 = arith.constant 2 : i32
    %div3A = arith.divsi %sub3A_27, %jit3A_28 : i32
    %sign3A = arith.constant 0 : i32
    %sign3A_29 = arith.cmpi sgt, %sub3A_27, %sign3A : i32
    %sign3A_30 = arith.extui %sign3A_29 : i1 to i32
    %sign3A_31 = arith.constant 0 : i32
    %sign3A_32 = arith.cmpi slt, %sub3A_27, %sign3A_31 : i32
    %sign3A_33 = arith.extui %sign3A_32 : i1 to i32
    %sign3A_34 = arith.subi %sign3A_30, %sign3A_33 : i32
    %sign3A_35 = arith.constant 0 : i32
    %sign3A_36 = arith.cmpi sgt, %jit3A_28, %sign3A_35 : i32
    %sign3A_37 = arith.extui %sign3A_36 : i1 to i32
    %sign3A_38 = arith.constant 0 : i32
    %sign3A_39 = arith.cmpi slt, %jit3A_28, %sign3A_38 : i32
    %sign3A_40 = arith.extui %sign3A_39 : i1 to i32
    %sign3A_41 = arith.subi %sign3A_37, %sign3A_40 : i32
    %ne3A = arith.cmpi ne, %sign3A_34, %sign3A_41 : i32
    %rem3A = arith.remsi %sub3A_27, %jit3A_28 : i32
    %ne3A_42 = arith.constant 0 : i32
    %ne3A_43 = arith.cmpi ne, %rem3A, %ne3A_42 : i32
    %and3A = arith.andi %ne3A, %ne3A_43 : i1
    %sub3A_44 = arith.constant 1 : i32
    %sub3A_45 = arith.subi %div3A, %sub3A_44 : i32
    %select_n3A_46 = arith.select %and3A, %sub3A_45, %div3A : i32
    %while3A = arith.constant 0 : i32
    %while3A_47 = arith.constant 0 : i32
    %while3A_48 = arith.subi %select_n3A_46, %while3A_47 : i32
    %while3A_49 = arith.addi %while3A_47, %while3A_48 : i32
    %while3A_50 = arith.constant 1 : i32
    %while3A_51 = arith.divsi %while3A_48, %while3A_50 : i32
    %while3A_52 = arith.muli %while3A_51, %while3A_50 : i32
    %while3A_53 = arith.addi %while3A_47, %while3A_52 : i32
    %while3A_54 = arith.constant 1 : i32
    scf.for %while3A_72 = %while3A_47 to %while3A_53 step %while3A_54  : i32 {
      %mul3A_73 = arith.constant 2 : i32
      %mul3A_74 = arith.muli %while3A_72, %mul3A_73 : i32
      %add3A_75 = arith.constant 1 : i32
      %add3A_76 = arith.addi %add3A_75, %mul3A_74 : i32
      %dma_wait3A_77 = arith.constant 0 : i32
      %dma_wait3A_78 = arith.constant 0 : i32
      %dma_wait3A_79 = tpu.memref_slice %arg16[%dma_wait3A_77, %dma_wait3A_78] : memref<10112x128xf32, #tpu.memory_space<vmem_shared>> -> memref<10112x128xf32, #tpu.memory_space<vmem_shared>>
      tpu.wait_indirect_dma semaphore(%arg15 : memref<!tpu.dma_semaphore, #tpu.memory_space<semaphore_mem>>) src(%arg11 : memref<128x128xf32, #tpu.memory_space<vmem>>) dst(%dma_wait3A_79 : memref<10112x128xf32, #tpu.memory_space<vmem_shared>>)
      %add3A_80 = arith.constant 1 : i32
      %add3A_81 = arith.addi %add3A_76, %add3A_80 : i32
      %mul3A_82 = arith.constant 128 : i32
      %mul3A_83 = arith.muli %add3A_81, %mul3A_82 : i32
      %add3A_84 = arith.addi %mul3A_12, %mul3A_83 : i32
      "tpu.region"() ({
        %run_scoped3A = tpu.sem_alloc : memref<!tpu.dma_semaphore, #tpu.memory_space<semaphore_mem>>
        %dma_start3A_113 = tpu.memref_slice %arg3[%add3A_84] : memref<327680xi32, #tpu.memory_space<hbm>> -> memref<128xi32, #tpu.memory_space<hbm>>
        %dma_start3A_114 = tpu.memref_slice %arg3[%add3A_84] : memref<327680xi32, #tpu.memory_space<hbm>> -> memref<128xi32, #tpu.memory_space<hbm>>
        tpu.enqueue_dma source(%dma_start3A_114 : memref<128xi32, #tpu.memory_space<hbm>>) target(%arg7 : memref<128xi32, #tpu.memory_space<vmem>>) target_semaphore(%run_scoped3A : memref<!tpu.dma_semaphore, #tpu.memory_space<semaphore_mem>>)
        %dma_wait3A_115 = tpu.memref_slice %arg3[%add3A_84] : memref<327680xi32, #tpu.memory_space<hbm>> -> memref<128xi32, #tpu.memory_space<hbm>>
        %dma_wait3A_116 = tpu.memref_slice %arg3[%add3A_84] : memref<327680xi32, #tpu.memory_space<hbm>> -> memref<128xi32, #tpu.memory_space<hbm>>
        tpu.wait_dma2 semaphore(%run_scoped3A : memref<!tpu.dma_semaphore, #tpu.memory_space<semaphore_mem>>) src(%dma_wait3A_116 : memref<128xi32, #tpu.memory_space<hbm>>) dst(%arg7 : memref<128xi32, #tpu.memory_space<vmem>>)
        tpu.yield
      }) : () -> ()
      "tpu.region"() ({
        %run_scoped3A = tpu.sem_alloc : memref<!tpu.dma_semaphore, #tpu.memory_space<semaphore_mem>>
        %dma_start3A_113 = tpu.memref_slice %arg4[%add3A_84] : memref<327680xi32, #tpu.memory_space<hbm>> -> memref<128xi32, #tpu.memory_space<hbm>>
        %dma_start3A_114 = tpu.memref_slice %arg4[%add3A_84] : memref<327680xi32, #tpu.memory_space<hbm>> -> memref<128xi32, #tpu.memory_space<hbm>>
        tpu.enqueue_dma source(%dma_start3A_114 : memref<128xi32, #tpu.memory_space<hbm>>) target(%arg8 : memref<128xi32, #tpu.memory_space<vmem>>) target_semaphore(%run_scoped3A : memref<!tpu.dma_semaphore, #tpu.memory_space<semaphore_mem>>)
        %dma_wait3A_115 = tpu.memref_slice %arg4[%add3A_84] : memref<327680xi32, #tpu.memory_space<hbm>> -> memref<128xi32, #tpu.memory_space<hbm>>
        %dma_wait3A_116 = tpu.memref_slice %arg4[%add3A_84] : memref<327680xi32, #tpu.memory_space<hbm>> -> memref<128xi32, #tpu.memory_space<hbm>>
        tpu.wait_dma2 semaphore(%run_scoped3A : memref<!tpu.dma_semaphore, #tpu.memory_space<semaphore_mem>>) src(%dma_wait3A_116 : memref<128xi32, #tpu.memory_space<hbm>>) dst(%arg8 : memref<128xi32, #tpu.memory_space<vmem>>)
        tpu.yield
      }) : () -> ()
      %dma_start3A_85 = arith.constant 0 : i32
      %dma_start3A_86 = arith.constant 0 : i32
      %dma_start3A_87 = tpu.memref_slice %arg2[%dma_start3A_85, %dma_start3A_86] : memref<10112x128xf32, #tpu.memory_space<hbm>> -> memref<10112x128xf32, #tpu.memory_space<hbm>>
      tpu.enqueue_indirect_dma source(%dma_start3A_87 : memref<10112x128xf32, #tpu.memory_space<hbm>>) target(%arg11 : memref<128x128xf32, #tpu.memory_space<vmem>>) offsets(%arg7 : memref<128xi32, #tpu.memory_space<vmem>>) semaphore(%arg13 : memref<!tpu.dma_semaphore, #tpu.memory_space<semaphore_mem>>)
      %dma_wait3A_88 = arith.constant 0 : i32
      %dma_wait3A_89 = arith.constant 0 : i32
      %dma_wait3A_90 = tpu.memref_slice %arg2[%dma_wait3A_88, %dma_wait3A_89] : memref<10112x128xf32, #tpu.memory_space<hbm>> -> memref<10112x128xf32, #tpu.memory_space<hbm>>
      tpu.wait_indirect_dma semaphore(%arg14 : memref<!tpu.dma_semaphore, #tpu.memory_space<semaphore_mem>>) src(%dma_wait3A_90 : memref<10112x128xf32, #tpu.memory_space<hbm>>) dst(%arg12 : memref<128x128xf32, #tpu.memory_space<vmem>>)
      %dma_start3A_91 = arith.constant 0 : i32
      %dma_start3A_92 = arith.constant 0 : i32
      %dma_start3A_93 = tpu.memref_slice %arg16[%dma_start3A_91, %dma_start3A_92] : memref<10112x128xf32, #tpu.memory_space<vmem_shared>> -> memref<10112x128xf32, #tpu.memory_space<vmem_shared>>
      tpu.enqueue_indirect_dma source(%arg12 : memref<128x128xf32, #tpu.memory_space<vmem>>) target(%dma_start3A_93 : memref<10112x128xf32, #tpu.memory_space<vmem_shared>>) offsets(%arg10 : memref<128xi32, #tpu.memory_space<vmem>>) semaphore(%arg15 : memref<!tpu.dma_semaphore, #tpu.memory_space<semaphore_mem>>) {add = true}
      %add3A_94 = arith.constant 1 : i32
      %add3A_95 = arith.addi %add3A_76, %add3A_94 : i32
      %dma_wait3A_96 = arith.constant 0 : i32
      %dma_wait3A_97 = arith.constant 0 : i32
      %dma_wait3A_98 = tpu.memref_slice %arg16[%dma_wait3A_96, %dma_wait3A_97] : memref<10112x128xf32, #tpu.memory_space<vmem_shared>> -> memref<10112x128xf32, #tpu.memory_space<vmem_shared>>
      tpu.wait_indirect_dma semaphore(%arg15 : memref<!tpu.dma_semaphore, #tpu.memory_space<semaphore_mem>>) src(%arg12 : memref<128x128xf32, #tpu.memory_space<vmem>>) dst(%dma_wait3A_98 : memref<10112x128xf32, #tpu.memory_space<vmem_shared>>)
      %add3A_99 = arith.constant 1 : i32
      %add3A_100 = arith.addi %add3A_95, %add3A_99 : i32
      %mul3A_101 = arith.constant 128 : i32
      %mul3A_102 = arith.muli %add3A_100, %mul3A_101 : i32
      %add3A_103 = arith.addi %mul3A_12, %mul3A_102 : i32
      "tpu.region"() ({
        %run_scoped3A = tpu.sem_alloc : memref<!tpu.dma_semaphore, #tpu.memory_space<semaphore_mem>>
        %dma_start3A_113 = tpu.memref_slice %arg3[%add3A_103] : memref<327680xi32, #tpu.memory_space<hbm>> -> memref<128xi32, #tpu.memory_space<hbm>>
        %dma_start3A_114 = tpu.memref_slice %arg3[%add3A_103] : memref<327680xi32, #tpu.memory_space<hbm>> -> memref<128xi32, #tpu.memory_space<hbm>>
        tpu.enqueue_dma source(%dma_start3A_114 : memref<128xi32, #tpu.memory_space<hbm>>) target(%arg9 : memref<128xi32, #tpu.memory_space<vmem>>) target_semaphore(%run_scoped3A : memref<!tpu.dma_semaphore, #tpu.memory_space<semaphore_mem>>)
        %dma_wait3A_115 = tpu.memref_slice %arg3[%add3A_103] : memref<327680xi32, #tpu.memory_space<hbm>> -> memref<128xi32, #tpu.memory_space<hbm>>
        %dma_wait3A_116 = tpu.memref_slice %arg3[%add3A_103] : memref<327680xi32, #tpu.memory_space<hbm>> -> memref<128xi32, #tpu.memory_space<hbm>>
        tpu.wait_dma2 semaphore(%run_scoped3A : memref<!tpu.dma_semaphore, #tpu.memory_space<semaphore_mem>>) src(%dma_wait3A_116 : memref<128xi32, #tpu.memory_space<hbm>>) dst(%arg9 : memref<128xi32, #tpu.memory_space<vmem>>)
        tpu.yield
      }) : () -> ()
      "tpu.region"() ({
        %run_scoped3A = tpu.sem_alloc : memref<!tpu.dma_semaphore, #tpu.memory_space<semaphore_mem>>
        %dma_start3A_113 = tpu.memref_slice %arg4[%add3A_103] : memref<327680xi32, #tpu.memory_space<hbm>> -> memref<128xi32, #tpu.memory_space<hbm>>
        %dma_start3A_114 = tpu.memref_slice %arg4[%add3A_103] : memref<327680xi32, #tpu.memory_space<hbm>> -> memref<128xi32, #tpu.memory_space<hbm>>
        tpu.enqueue_dma source(%dma_start3A_114 : memref<128xi32, #tpu.memory_space<hbm>>) target(%arg10 : memref<128xi32, #tpu.memory_space<vmem>>) target_semaphore(%run_scoped3A : memref<!tpu.dma_semaphore, #tpu.memory_space<semaphore_mem>>)
        %dma_wait3A_115 = tpu.memref_slice %arg4[%add3A_103] : memref<327680xi32, #tpu.memory_space<hbm>> -> memref<128xi32, #tpu.memory_space<hbm>>
        %dma_wait3A_116 = tpu.memref_slice %arg4[%add3A_103] : memref<327680xi32, #tpu.memory_space<hbm>> -> memref<128xi32, #tpu.memory_space<hbm>>
        tpu.wait_dma2 semaphore(%run_scoped3A : memref<!tpu.dma_semaphore, #tpu.memory_space<semaphore_mem>>) src(%dma_wait3A_116 : memref<128xi32, #tpu.memory_space<hbm>>) dst(%arg10 : memref<128xi32, #tpu.memory_space<vmem>>)
        tpu.yield
      }) : () -> ()
      %dma_start3A_104 = arith.constant 0 : i32
      %dma_start3A_105 = arith.constant 0 : i32
      %dma_start3A_106 = tpu.memref_slice %arg2[%dma_start3A_104, %dma_start3A_105] : memref<10112x128xf32, #tpu.memory_space<hbm>> -> memref<10112x128xf32, #tpu.memory_space<hbm>>
      tpu.enqueue_indirect_dma source(%dma_start3A_106 : memref<10112x128xf32, #tpu.memory_space<hbm>>) target(%arg12 : memref<128x128xf32, #tpu.memory_space<vmem>>) offsets(%arg9 : memref<128xi32, #tpu.memory_space<vmem>>) semaphore(%arg14 : memref<!tpu.dma_semaphore, #tpu.memory_space<semaphore_mem>>)
      %dma_wait3A_107 = arith.constant 0 : i32
      %dma_wait3A_108 = arith.constant 0 : i32
      %dma_wait3A_109 = tpu.memref_slice %arg2[%dma_wait3A_107, %dma_wait3A_108] : memref<10112x128xf32, #tpu.memory_space<hbm>> -> memref<10112x128xf32, #tpu.memory_space<hbm>>
      tpu.wait_indirect_dma semaphore(%arg13 : memref<!tpu.dma_semaphore, #tpu.memory_space<semaphore_mem>>) src(%dma_wait3A_109 : memref<10112x128xf32, #tpu.memory_space<hbm>>) dst(%arg11 : memref<128x128xf32, #tpu.memory_space<vmem>>)
      %dma_start3A_110 = arith.constant 0 : i32
      %dma_start3A_111 = arith.constant 0 : i32
      %dma_start3A_112 = tpu.memref_slice %arg16[%dma_start3A_110, %dma_start3A_111] : memref<10112x128xf32, #tpu.memory_space<vmem_shared>> -> memref<10112x128xf32, #tpu.memory_space<vmem_shared>>
      tpu.enqueue_indirect_dma source(%arg11 : memref<128x128xf32, #tpu.memory_space<vmem>>) target(%dma_start3A_112 : memref<10112x128xf32, #tpu.memory_space<vmem_shared>>) offsets(%arg8 : memref<128xi32, #tpu.memory_space<vmem>>) semaphore(%arg15 : memref<!tpu.dma_semaphore, #tpu.memory_space<semaphore_mem>>) {add = true}
    }
    %while3A_55 = arith.constant 1 : i32
    scf.for %while3A_72 = %while3A_53 to %while3A_49 step %while3A_55  : i32 {
      %mul3A_73 = arith.constant 2 : i32
      %mul3A_74 = arith.muli %while3A_72, %mul3A_73 : i32
      %add3A_75 = arith.constant 1 : i32
      %add3A_76 = arith.addi %add3A_75, %mul3A_74 : i32
      %dma_wait3A_77 = arith.constant 0 : i32
      %dma_wait3A_78 = arith.constant 0 : i32
      %dma_wait3A_79 = tpu.memref_slice %arg16[%dma_wait3A_77, %dma_wait3A_78] : memref<10112x128xf32, #tpu.memory_space<vmem_shared>> -> memref<10112x128xf32, #tpu.memory_space<vmem_shared>>
      tpu.wait_indirect_dma semaphore(%arg15 : memref<!tpu.dma_semaphore, #tpu.memory_space<semaphore_mem>>) src(%arg11 : memref<128x128xf32, #tpu.memory_space<vmem>>) dst(%dma_wait3A_79 : memref<10112x128xf32, #tpu.memory_space<vmem_shared>>)
      %add3A_80 = arith.constant 1 : i32
      %add3A_81 = arith.addi %add3A_76, %add3A_80 : i32
      %mul3A_82 = arith.constant 128 : i32
      %mul3A_83 = arith.muli %add3A_81, %mul3A_82 : i32
      %add3A_84 = arith.addi %mul3A_12, %mul3A_83 : i32
      "tpu.region"() ({
        %run_scoped3A = tpu.sem_alloc : memref<!tpu.dma_semaphore, #tpu.memory_space<semaphore_mem>>
        %dma_start3A_113 = tpu.memref_slice %arg3[%add3A_84] : memref<327680xi32, #tpu.memory_space<hbm>> -> memref<128xi32, #tpu.memory_space<hbm>>
        %dma_start3A_114 = tpu.memref_slice %arg3[%add3A_84] : memref<327680xi32, #tpu.memory_space<hbm>> -> memref<128xi32, #tpu.memory_space<hbm>>
        tpu.enqueue_dma source(%dma_start3A_114 : memref<128xi32, #tpu.memory_space<hbm>>) target(%arg7 : memref<128xi32, #tpu.memory_space<vmem>>) target_semaphore(%run_scoped3A : memref<!tpu.dma_semaphore, #tpu.memory_space<semaphore_mem>>)
        %dma_wait3A_115 = tpu.memref_slice %arg3[%add3A_84] : memref<327680xi32, #tpu.memory_space<hbm>> -> memref<128xi32, #tpu.memory_space<hbm>>
        %dma_wait3A_116 = tpu.memref_slice %arg3[%add3A_84] : memref<327680xi32, #tpu.memory_space<hbm>> -> memref<128xi32, #tpu.memory_space<hbm>>
        tpu.wait_dma2 semaphore(%run_scoped3A : memref<!tpu.dma_semaphore, #tpu.memory_space<semaphore_mem>>) src(%dma_wait3A_116 : memref<128xi32, #tpu.memory_space<hbm>>) dst(%arg7 : memref<128xi32, #tpu.memory_space<vmem>>)
        tpu.yield
      }) : () -> ()
      "tpu.region"() ({
        %run_scoped3A = tpu.sem_alloc : memref<!tpu.dma_semaphore, #tpu.memory_space<semaphore_mem>>
        %dma_start3A_113 = tpu.memref_slice %arg4[%add3A_84] : memref<327680xi32, #tpu.memory_space<hbm>> -> memref<128xi32, #tpu.memory_space<hbm>>
        %dma_start3A_114 = tpu.memref_slice %arg4[%add3A_84] : memref<327680xi32, #tpu.memory_space<hbm>> -> memref<128xi32, #tpu.memory_space<hbm>>
        tpu.enqueue_dma source(%dma_start3A_114 : memref<128xi32, #tpu.memory_space<hbm>>) target(%arg8 : memref<128xi32, #tpu.memory_space<vmem>>) target_semaphore(%run_scoped3A : memref<!tpu.dma_semaphore, #tpu.memory_space<semaphore_mem>>)
        %dma_wait3A_115 = tpu.memref_slice %arg4[%add3A_84] : memref<327680xi32, #tpu.memory_space<hbm>> -> memref<128xi32, #tpu.memory_space<hbm>>
        %dma_wait3A_116 = tpu.memref_slice %arg4[%add3A_84] : memref<327680xi32, #tpu.memory_space<hbm>> -> memref<128xi32, #tpu.memory_space<hbm>>
        tpu.wait_dma2 semaphore(%run_scoped3A : memref<!tpu.dma_semaphore, #tpu.memory_space<semaphore_mem>>) src(%dma_wait3A_116 : memref<128xi32, #tpu.memory_space<hbm>>) dst(%arg8 : memref<128xi32, #tpu.memory_space<vmem>>)
        tpu.yield
      }) : () -> ()
      %dma_start3A_85 = arith.constant 0 : i32
      %dma_start3A_86 = arith.constant 0 : i32
      %dma_start3A_87 = tpu.memref_slice %arg2[%dma_start3A_85, %dma_start3A_86] : memref<10112x128xf32, #tpu.memory_space<hbm>> -> memref<10112x128xf32, #tpu.memory_space<hbm>>
      tpu.enqueue_indirect_dma source(%dma_start3A_87 : memref<10112x128xf32, #tpu.memory_space<hbm>>) target(%arg11 : memref<128x128xf32, #tpu.memory_space<vmem>>) offsets(%arg7 : memref<128xi32, #tpu.memory_space<vmem>>) semaphore(%arg13 : memref<!tpu.dma_semaphore, #tpu.memory_space<semaphore_mem>>)
      %dma_wait3A_88 = arith.constant 0 : i32
      %dma_wait3A_89 = arith.constant 0 : i32
      %dma_wait3A_90 = tpu.memref_slice %arg2[%dma_wait3A_88, %dma_wait3A_89] : memref<10112x128xf32, #tpu.memory_space<hbm>> -> memref<10112x128xf32, #tpu.memory_space<hbm>>
      tpu.wait_indirect_dma semaphore(%arg14 : memref<!tpu.dma_semaphore, #tpu.memory_space<semaphore_mem>>) src(%dma_wait3A_90 : memref<10112x128xf32, #tpu.memory_space<hbm>>) dst(%arg12 : memref<128x128xf32, #tpu.memory_space<vmem>>)
      %dma_start3A_91 = arith.constant 0 : i32
      %dma_start3A_92 = arith.constant 0 : i32
      %dma_start3A_93 = tpu.memref_slice %arg16[%dma_start3A_91, %dma_start3A_92] : memref<10112x128xf32, #tpu.memory_space<vmem_shared>> -> memref<10112x128xf32, #tpu.memory_space<vmem_shared>>
      tpu.enqueue_indirect_dma source(%arg12 : memref<128x128xf32, #tpu.memory_space<vmem>>) target(%dma_start3A_93 : memref<10112x128xf32, #tpu.memory_space<vmem_shared>>) offsets(%arg10 : memref<128xi32, #tpu.memory_space<vmem>>) semaphore(%arg15 : memref<!tpu.dma_semaphore, #tpu.memory_space<semaphore_mem>>) {add = true}
      %add3A_94 = arith.constant 1 : i32
      %add3A_95 = arith.addi %add3A_76, %add3A_94 : i32
      %dma_wait3A_96 = arith.constant 0 : i32
      %dma_wait3A_97 = arith.constant 0 : i32
      %dma_wait3A_98 = tpu.memref_slice %arg16[%dma_wait3A_96, %dma_wait3A_97] : memref<10112x128xf32, #tpu.memory_space<vmem_shared>> -> memref<10112x128xf32, #tpu.memory_space<vmem_shared>>
      tpu.wait_indirect_dma semaphore(%arg15 : memref<!tpu.dma_semaphore, #tpu.memory_space<semaphore_mem>>) src(%arg12 : memref<128x128xf32, #tpu.memory_space<vmem>>) dst(%dma_wait3A_98 : memref<10112x128xf32, #tpu.memory_space<vmem_shared>>)
      %add3A_99 = arith.constant 1 : i32
      %add3A_100 = arith.addi %add3A_95, %add3A_99 : i32
      %mul3A_101 = arith.constant 128 : i32
      %mul3A_102 = arith.muli %add3A_100, %mul3A_101 : i32
      %add3A_103 = arith.addi %mul3A_12, %mul3A_102 : i32
      "tpu.region"() ({
        %run_scoped3A = tpu.sem_alloc : memref<!tpu.dma_semaphore, #tpu.memory_space<semaphore_mem>>
        %dma_start3A_113 = tpu.memref_slice %arg3[%add3A_103] : memref<327680xi32, #tpu.memory_space<hbm>> -> memref<128xi32, #tpu.memory_space<hbm>>
        %dma_start3A_114 = tpu.memref_slice %arg3[%add3A_103] : memref<327680xi32, #tpu.memory_space<hbm>> -> memref<128xi32, #tpu.memory_space<hbm>>
        tpu.enqueue_dma source(%dma_start3A_114 : memref<128xi32, #tpu.memory_space<hbm>>) target(%arg9 : memref<128xi32, #tpu.memory_space<vmem>>) target_semaphore(%run_scoped3A : memref<!tpu.dma_semaphore, #tpu.memory_space<semaphore_mem>>)
        %dma_wait3A_115 = tpu.memref_slice %arg3[%add3A_103] : memref<327680xi32, #tpu.memory_space<hbm>> -> memref<128xi32, #tpu.memory_space<hbm>>
        %dma_wait3A_116 = tpu.memref_slice %arg3[%add3A_103] : memref<327680xi32, #tpu.memory_space<hbm>> -> memref<128xi32, #tpu.memory_space<hbm>>
        tpu.wait_dma2 semaphore(%run_scoped3A : memref<!tpu.dma_semaphore, #tpu.memory_space<semaphore_mem>>) src(%dma_wait3A_116 : memref<128xi32, #tpu.memory_space<hbm>>) dst(%arg9 : memref<128xi32, #tpu.memory_space<vmem>>)
        tpu.yield
      }) : () -> ()
      "tpu.region"() ({
        %run_scoped3A = tpu.sem_alloc : memref<!tpu.dma_semaphore, #tpu.memory_space<semaphore_mem>>
        %dma_start3A_113 = tpu.memref_slice %arg4[%add3A_103] : memref<327680xi32, #tpu.memory_space<hbm>> -> memref<128xi32, #tpu.memory_space<hbm>>
        %dma_start3A_114 = tpu.memref_slice %arg4[%add3A_103] : memref<327680xi32, #tpu.memory_space<hbm>> -> memref<128xi32, #tpu.memory_space<hbm>>
        tpu.enqueue_dma source(%dma_start3A_114 : memref<128xi32, #tpu.memory_space<hbm>>) target(%arg10 : memref<128xi32, #tpu.memory_space<vmem>>) target_semaphore(%run_scoped3A : memref<!tpu.dma_semaphore, #tpu.memory_space<semaphore_mem>>)
        %dma_wait3A_115 = tpu.memref_slice %arg4[%add3A_103] : memref<327680xi32, #tpu.memory_space<hbm>> -> memref<128xi32, #tpu.memory_space<hbm>>
        %dma_wait3A_116 = tpu.memref_slice %arg4[%add3A_103] : memref<327680xi32, #tpu.memory_space<hbm>> -> memref<128xi32, #tpu.memory_space<hbm>>
        tpu.wait_dma2 semaphore(%run_scoped3A : memref<!tpu.dma_semaphore, #tpu.memory_space<semaphore_mem>>) src(%dma_wait3A_116 : memref<128xi32, #tpu.memory_space<hbm>>) dst(%arg10 : memref<128xi32, #tpu.memory_space<vmem>>)
        tpu.yield
      }) : () -> ()
      %dma_start3A_104 = arith.constant 0 : i32
      %dma_start3A_105 = arith.constant 0 : i32
      %dma_start3A_106 = tpu.memref_slice %arg2[%dma_start3A_104, %dma_start3A_105] : memref<10112x128xf32, #tpu.memory_space<hbm>> -> memref<10112x128xf32, #tpu.memory_space<hbm>>
      tpu.enqueue_indirect_dma source(%dma_start3A_106 : memref<10112x128xf32, #tpu.memory_space<hbm>>) target(%arg12 : memref<128x128xf32, #tpu.memory_space<vmem>>) offsets(%arg9 : memref<128xi32, #tpu.memory_space<vmem>>) semaphore(%arg14 : memref<!tpu.dma_semaphore, #tpu.memory_space<semaphore_mem>>)
      %dma_wait3A_107 = arith.constant 0 : i32
      %dma_wait3A_108 = arith.constant 0 : i32
      %dma_wait3A_109 = tpu.memref_slice %arg2[%dma_wait3A_107, %dma_wait3A_108] : memref<10112x128xf32, #tpu.memory_space<hbm>> -> memref<10112x128xf32, #tpu.memory_space<hbm>>
      tpu.wait_indirect_dma semaphore(%arg13 : memref<!tpu.dma_semaphore, #tpu.memory_space<semaphore_mem>>) src(%dma_wait3A_109 : memref<10112x128xf32, #tpu.memory_space<hbm>>) dst(%arg11 : memref<128x128xf32, #tpu.memory_space<vmem>>)
      %dma_start3A_110 = arith.constant 0 : i32
      %dma_start3A_111 = arith.constant 0 : i32
      %dma_start3A_112 = tpu.memref_slice %arg16[%dma_start3A_110, %dma_start3A_111] : memref<10112x128xf32, #tpu.memory_space<vmem_shared>> -> memref<10112x128xf32, #tpu.memory_space<vmem_shared>>
      tpu.enqueue_indirect_dma source(%arg11 : memref<128x128xf32, #tpu.memory_space<vmem>>) target(%dma_start3A_112 : memref<10112x128xf32, #tpu.memory_space<vmem_shared>>) offsets(%arg8 : memref<128xi32, #tpu.memory_space<vmem>>) semaphore(%arg15 : memref<!tpu.dma_semaphore, #tpu.memory_space<semaphore_mem>>) {add = true}
    }
    %dma_wait3A_56 = arith.constant 0 : i32
    %dma_wait3A_57 = arith.constant 0 : i32
    %dma_wait3A_58 = tpu.memref_slice %arg16[%dma_wait3A_56, %dma_wait3A_57] : memref<10112x128xf32, #tpu.memory_space<vmem_shared>> -> memref<10112x128xf32, #tpu.memory_space<vmem_shared>>
    tpu.wait_indirect_dma semaphore(%arg15 : memref<!tpu.dma_semaphore, #tpu.memory_space<semaphore_mem>>) src(%arg11 : memref<128x128xf32, #tpu.memory_space<vmem>>) dst(%dma_wait3A_58 : memref<10112x128xf32, #tpu.memory_space<vmem_shared>>)
    %dma_wait3A_59 = arith.constant 0 : i32
    %dma_wait3A_60 = arith.constant 0 : i32
    %dma_wait3A_61 = tpu.memref_slice %arg2[%dma_wait3A_59, %dma_wait3A_60] : memref<10112x128xf32, #tpu.memory_space<hbm>> -> memref<10112x128xf32, #tpu.memory_space<hbm>>
    tpu.wait_indirect_dma semaphore(%arg14 : memref<!tpu.dma_semaphore, #tpu.memory_space<semaphore_mem>>) src(%dma_wait3A_61 : memref<10112x128xf32, #tpu.memory_space<hbm>>) dst(%arg12 : memref<128x128xf32, #tpu.memory_space<vmem>>)
    %dma_start3A_62 = arith.constant 0 : i32
    %dma_start3A_63 = arith.constant 0 : i32
    %dma_start3A_64 = tpu.memref_slice %arg16[%dma_start3A_62, %dma_start3A_63] : memref<10112x128xf32, #tpu.memory_space<vmem_shared>> -> memref<10112x128xf32, #tpu.memory_space<vmem_shared>>
    tpu.enqueue_indirect_dma source(%arg12 : memref<128x128xf32, #tpu.memory_space<vmem>>) target(%dma_start3A_64 : memref<10112x128xf32, #tpu.memory_space<vmem_shared>>) offsets(%arg10 : memref<128xi32, #tpu.memory_space<vmem>>) semaphore(%arg15 : memref<!tpu.dma_semaphore, #tpu.memory_space<semaphore_mem>>) {add = true}
    %dma_wait3A_65 = arith.constant 0 : i32
    %dma_wait3A_66 = arith.constant 0 : i32
    %dma_wait3A_67 = tpu.memref_slice %arg16[%dma_wait3A_65, %dma_wait3A_66] : memref<10112x128xf32, #tpu.memory_space<vmem_shared>> -> memref<10112x128xf32, #tpu.memory_space<vmem_shared>>
    tpu.wait_indirect_dma semaphore(%arg15 : memref<!tpu.dma_semaphore, #tpu.memory_space<semaphore_mem>>) src(%arg12 : memref<128x128xf32, #tpu.memory_space<vmem>>) dst(%dma_wait3A_67 : memref<10112x128xf32, #tpu.memory_space<vmem_shared>>)
    %barrier3A_68 = arith.constant 0 : index
    tpu.barrier barrier_id(%barrier3A_68)
    %mul3A_69 = arith.constant 10112 : i32
    %mul3A_70 = arith.muli %arg0, %mul3A_69 : i32
    %add3A_71 = arith.addi %mul3A_70, %mul3A_0 : i32
    "tpu.region"() ({
      %run_scoped3A = tpu.sem_alloc : memref<!tpu.dma_semaphore, #tpu.memory_space<semaphore_mem>>
      %dma_start3A_72 = arith.constant 0 : i32
      %dma_start3A_73 = tpu.memref_slice %arg6[%add3A_71, %dma_start3A_72] : memref<20224x128xf32, #tpu.memory_space<hbm>> -> memref<632x128xf32, #tpu.memory_space<hbm>>
      %dma_start3A_74 = arith.constant 0 : i32
      %dma_start3A_75 = tpu.memref_slice %arg16[%mul3A_0, %dma_start3A_74] : memref<10112x128xf32, #tpu.memory_space<vmem_shared>> -> memref<632x128xf32, #tpu.memory_space<vmem_shared>>
      tpu.enqueue_dma source(%dma_start3A_75 : memref<632x128xf32, #tpu.memory_space<vmem_shared>>) target(%dma_start3A_73 : memref<632x128xf32, #tpu.memory_space<hbm>>) target_semaphore(%run_scoped3A : memref<!tpu.dma_semaphore, #tpu.memory_space<semaphore_mem>>)
      %dma_wait3A_76 = arith.constant 0 : i32
      %dma_wait3A_77 = tpu.memref_slice %arg6[%add3A_71, %dma_wait3A_76] : memref<20224x128xf32, #tpu.memory_space<hbm>> -> memref<632x128xf32, #tpu.memory_space<hbm>>
      %dma_wait3A_78 = arith.constant 0 : i32
      %dma_wait3A_79 = tpu.memref_slice %arg16[%mul3A_0, %dma_wait3A_78] : memref<10112x128xf32, #tpu.memory_space<vmem_shared>> -> memref<632x128xf32, #tpu.memory_space<vmem_shared>>
      tpu.wait_dma2 semaphore(%run_scoped3A : memref<!tpu.dma_semaphore, #tpu.memory_space<semaphore_mem>>) src(%dma_wait3A_79 : memref<632x128xf32, #tpu.memory_space<vmem_shared>>) dst(%dma_wait3A_77 : memref<632x128xf32, #tpu.memory_space<hbm>>)
      tpu.yield
    }) : () -> ()
    return
  }
}

#map = affine_map<(d0, d1) -> (0, 0)>
#map1 = affine_map<(d0, d1) -> (0)>
module attributes {stable_mosaic.version = 14 : i64} {
  func.func @k(%arg0: i32, %arg1: i32, %arg2: memref<10112x128xf32, #tpu.memory_space<hbm>>, %arg3: memref<327680xi32, #tpu.memory_space<hbm>>, %arg4: memref<327680xi32, #tpu.memory_space<hbm>>, %arg5: memref<10112x128xf32, #tpu.memory_space<hbm>>, %arg6: memref<20224x128xf32, #tpu.memory_space<hbm>>, %arg7: memref<128xi32, #tpu.memory_space<vmem>>, %arg8: memref<128xi32, #tpu.memory_space<vmem>>, %arg9: memref<128xi32, #tpu.memory_space<vmem>>, %arg10: memref<128xi32, #tpu.memory_space<vmem>>, %arg11: memref<128x128xf32, #tpu.memory_space<vmem>>, %arg12: memref<128x128xf32, #tpu.memory_space<vmem>>, %arg13: memref<!tpu.dma_semaphore, #tpu.memory_space<semaphore_mem>>, %arg14: memref<!tpu.dma_semaphore, #tpu.memory_space<semaphore_mem>>, %arg15: memref<!tpu.dma_semaphore, #tpu.memory_space<semaphore_mem>>, %arg16: memref<10112x128xf32, #tpu.memory_space<vmem_shared>>) attributes {dimension_semantics = [#tpu.dimension_semantics<core_parallel>, #tpu.dimension_semantics<subcore_parallel>], iteration_bounds = array<i64: 2, 16>, scalar_prefetch = 0 : i64, scratch_operands = 10 : i64, tpu.core_type = #tpu.core_type<sc_vector_subcore>, window_params = [{transform_indices = #map}, {transform_indices = #map1}, {transform_indices = #map1}, {transform_indices = #map}, {transform_indices = #map}]} {
    %mul3A = arith.constant 632 : i32
    %mul3A_0 = arith.muli %arg1, %mul3A : i32
    "tpu.region"() ({
      %run_scoped3A = tpu.sem_alloc : memref<!tpu.dma_semaphore, #tpu.memory_space<semaphore_mem>>
      %dma_start3A_72 = arith.constant 0 : i32
      %dma_start3A_73 = tpu.memref_slice %arg16[%mul3A_0, %dma_start3A_72] : memref<10112x128xf32, #tpu.memory_space<vmem_shared>> -> memref<632x128xf32, #tpu.memory_space<vmem_shared>>
      %dma_start3A_74 = arith.constant 0 : i32
      %dma_start3A_75 = tpu.memref_slice %arg5[%mul3A_0, %dma_start3A_74] : memref<10112x128xf32, #tpu.memory_space<hbm>> -> memref<632x128xf32, #tpu.memory_space<hbm>>
      tpu.enqueue_dma source(%dma_start3A_75 : memref<632x128xf32, #tpu.memory_space<hbm>>) target(%dma_start3A_73 : memref<632x128xf32, #tpu.memory_space<vmem_shared>>) target_semaphore(%run_scoped3A : memref<!tpu.dma_semaphore, #tpu.memory_space<semaphore_mem>>)
      %dma_wait3A_76 = arith.constant 0 : i32
      %dma_wait3A_77 = tpu.memref_slice %arg16[%mul3A_0, %dma_wait3A_76] : memref<10112x128xf32, #tpu.memory_space<vmem_shared>> -> memref<632x128xf32, #tpu.memory_space<vmem_shared>>
      %dma_wait3A_78 = arith.constant 0 : i32
      %dma_wait3A_79 = tpu.memref_slice %arg5[%mul3A_0, %dma_wait3A_78] : memref<10112x128xf32, #tpu.memory_space<hbm>> -> memref<632x128xf32, #tpu.memory_space<hbm>>
      tpu.wait_dma2 semaphore(%run_scoped3A : memref<!tpu.dma_semaphore, #tpu.memory_space<semaphore_mem>>) src(%dma_wait3A_79 : memref<632x128xf32, #tpu.memory_space<hbm>>) dst(%dma_wait3A_77 : memref<632x128xf32, #tpu.memory_space<vmem_shared>>)
      tpu.yield
    }) : () -> ()
    %barrier3A = arith.constant 0 : index
    tpu.barrier barrier_id(%barrier3A)
    %eq3A = arith.constant 0 : i32
    %eq3A_1 = arith.cmpi eq, %arg0, %eq3A : i32
    %jit3A = arith.constant 120 : i32
    %jit3A_2 = arith.constant 40 : i32
    %select_n3A = arith.select %eq3A_1, %jit3A, %jit3A_2 : i32
    %eq3A_3 = arith.constant 0 : i32
    %eq3A_4 = arith.cmpi eq, %arg0, %eq3A_3 : i32
    %mul3A_5 = arith.constant 120 : i32
    %mul3A_6 = arith.muli %arg1, %mul3A_5 : i32
    %mul3A_7 = arith.constant 40 : i32
    %mul3A_8 = arith.muli %arg1, %mul3A_7 : i32
    %add3A = arith.constant 1920 : i32
    %add3A_9 = arith.addi %add3A, %mul3A_8 : i32
    %select_n3A_10 = arith.select %eq3A_4, %mul3A_6, %add3A_9 : i32
    %mul3A_11 = arith.constant 128 : i32
    %mul3A_12 = arith.muli %select_n3A_10, %mul3A_11 : i32
    %add3A_13 = arith.constant 0 : i32
    %add3A_14 = arith.addi %mul3A_12, %add3A_13 : i32
    "tpu.region"() ({
      %run_scoped3A = tpu.sem_alloc : memref<!tpu.dma_semaphore, #tpu.memory_space<semaphore_mem>>
      %dma_start3A_72 = tpu.memref_slice %arg3[%add3A_14] : memref<327680xi32, #tpu.memory_space<hbm>> -> memref<128xi32, #tpu.memory_space<hbm>>
      %dma_start3A_73 = tpu.memref_slice %arg3[%add3A_14] : memref<327680xi32, #tpu.memory_space<hbm>> -> memref<128xi32, #tpu.memory_space<hbm>>
      tpu.enqueue_dma source(%dma_start3A_73 : memref<128xi32, #tpu.memory_space<hbm>>) target(%arg7 : memref<128xi32, #tpu.memory_space<vmem>>) target_semaphore(%run_scoped3A : memref<!tpu.dma_semaphore, #tpu.memory_space<semaphore_mem>>)
      %dma_wait3A_74 = tpu.memref_slice %arg3[%add3A_14] : memref<327680xi32, #tpu.memory_space<hbm>> -> memref<128xi32, #tpu.memory_space<hbm>>
      %dma_wait3A_75 = tpu.memref_slice %arg3[%add3A_14] : memref<327680xi32, #tpu.memory_space<hbm>> -> memref<128xi32, #tpu.memory_space<hbm>>
      tpu.wait_dma2 semaphore(%run_scoped3A : memref<!tpu.dma_semaphore, #tpu.memory_space<semaphore_mem>>) src(%dma_wait3A_75 : memref<128xi32, #tpu.memory_space<hbm>>) dst(%arg7 : memref<128xi32, #tpu.memory_space<vmem>>)
      tpu.yield
    }) : () -> ()
    "tpu.region"() ({
      %run_scoped3A = tpu.sem_alloc : memref<!tpu.dma_semaphore, #tpu.memory_space<semaphore_mem>>
      %dma_start3A_72 = tpu.memref_slice %arg4[%add3A_14] : memref<327680xi32, #tpu.memory_space<hbm>> -> memref<128xi32, #tpu.memory_space<hbm>>
      %dma_start3A_73 = tpu.memref_slice %arg4[%add3A_14] : memref<327680xi32, #tpu.memory_space<hbm>> -> memref<128xi32, #tpu.memory_space<hbm>>
      tpu.enqueue_dma source(%dma_start3A_73 : memref<128xi32, #tpu.memory_space<hbm>>) target(%arg8 : memref<128xi32, #tpu.memory_space<vmem>>) target_semaphore(%run_scoped3A : memref<!tpu.dma_semaphore, #tpu.memory_space<semaphore_mem>>)
      %dma_wait3A_74 = tpu.memref_slice %arg4[%add3A_14] : memref<327680xi32, #tpu.memory_space<hbm>> -> memref<128xi32, #tpu.memory_space<hbm>>
      %dma_wait3A_75 = tpu.memref_slice %arg4[%add3A_14] : memref<327680xi32, #tpu.memory_space<hbm>> -> memref<128xi32, #tpu.memory_space<hbm>>
      tpu.wait_dma2 semaphore(%run_scoped3A : memref<!tpu.dma_semaphore, #tpu.memory_space<semaphore_mem>>) src(%dma_wait3A_75 : memref<128xi32, #tpu.memory_space<hbm>>) dst(%arg8 : memref<128xi32, #tpu.memory_space<vmem>>)
      tpu.yield
    }) : () -> ()
    %dma_start3A = arith.constant 0 : i32
    %dma_start3A_15 = arith.constant 0 : i32
    %dma_start3A_16 = tpu.memref_slice %arg2[%dma_start3A, %dma_start3A_15] : memref<10112x128xf32, #tpu.memory_space<hbm>> -> memref<10112x128xf32, #tpu.memory_space<hbm>>
    tpu.enqueue_indirect_dma source(%dma_start3A_16 : memref<10112x128xf32, #tpu.memory_space<hbm>>) target(%arg11 : memref<128x128xf32, #tpu.memory_space<vmem>>) offsets(%arg7 : memref<128xi32, #tpu.memory_space<vmem>>) semaphore(%arg13 : memref<!tpu.dma_semaphore, #tpu.memory_space<semaphore_mem>>)
    %add3A_17 = arith.constant 128 : i32
    %add3A_18 = arith.addi %mul3A_12, %add3A_17 : i32
    "tpu.region"() ({
      %run_scoped3A = tpu.sem_alloc : memref<!tpu.dma_semaphore, #tpu.memory_space<semaphore_mem>>
      %dma_start3A_72 = tpu.memref_slice %arg3[%add3A_18] : memref<327680xi32, #tpu.memory_space<hbm>> -> memref<128xi32, #tpu.memory_space<hbm>>
      %dma_start3A_73 = tpu.memref_slice %arg3[%add3A_18] : memref<327680xi32, #tpu.memory_space<hbm>> -> memref<128xi32, #tpu.memory_space<hbm>>
      tpu.enqueue_dma source(%dma_start3A_73 : memref<128xi32, #tpu.memory_space<hbm>>) target(%arg9 : memref<128xi32, #tpu.memory_space<vmem>>) target_semaphore(%run_scoped3A : memref<!tpu.dma_semaphore, #tpu.memory_space<semaphore_mem>>)
      %dma_wait3A_74 = tpu.memref_slice %arg3[%add3A_18] : memref<327680xi32, #tpu.memory_space<hbm>> -> memref<128xi32, #tpu.memory_space<hbm>>
      %dma_wait3A_75 = tpu.memref_slice %arg3[%add3A_18] : memref<327680xi32, #tpu.memory_space<hbm>> -> memref<128xi32, #tpu.memory_space<hbm>>
      tpu.wait_dma2 semaphore(%run_scoped3A : memref<!tpu.dma_semaphore, #tpu.memory_space<semaphore_mem>>) src(%dma_wait3A_75 : memref<128xi32, #tpu.memory_space<hbm>>) dst(%arg9 : memref<128xi32, #tpu.memory_space<vmem>>)
      tpu.yield
    }) : () -> ()
    "tpu.region"() ({
      %run_scoped3A = tpu.sem_alloc : memref<!tpu.dma_semaphore, #tpu.memory_space<semaphore_mem>>
      %dma_start3A_72 = tpu.memref_slice %arg4[%add3A_18] : memref<327680xi32, #tpu.memory_space<hbm>> -> memref<128xi32, #tpu.memory_space<hbm>>
      %dma_start3A_73 = tpu.memref_slice %arg4[%add3A_18] : memref<327680xi32, #tpu.memory_space<hbm>> -> memref<128xi32, #tpu.memory_space<hbm>>
      tpu.enqueue_dma source(%dma_start3A_73 : memref<128xi32, #tpu.memory_space<hbm>>) target(%arg10 : memref<128xi32, #tpu.memory_space<vmem>>) target_semaphore(%run_scoped3A : memref<!tpu.dma_semaphore, #tpu.memory_space<semaphore_mem>>)
      %dma_wait3A_74 = tpu.memref_slice %arg4[%add3A_18] : memref<327680xi32, #tpu.memory_space<hbm>> -> memref<128xi32, #tpu.memory_space<hbm>>
      %dma_wait3A_75 = tpu.memref_slice %arg4[%add3A_18] : memref<327680xi32, #tpu.memory_space<hbm>> -> memref<128xi32, #tpu.memory_space<hbm>>
      tpu.wait_dma2 semaphore(%run_scoped3A : memref<!tpu.dma_semaphore, #tpu.memory_space<semaphore_mem>>) src(%dma_wait3A_75 : memref<128xi32, #tpu.memory_space<hbm>>) dst(%arg10 : memref<128xi32, #tpu.memory_space<vmem>>)
      tpu.yield
    }) : () -> ()
    %dma_start3A_19 = arith.constant 0 : i32
    %dma_start3A_20 = arith.constant 0 : i32
    %dma_start3A_21 = tpu.memref_slice %arg2[%dma_start3A_19, %dma_start3A_20] : memref<10112x128xf32, #tpu.memory_space<hbm>> -> memref<10112x128xf32, #tpu.memory_space<hbm>>
    tpu.enqueue_indirect_dma source(%dma_start3A_21 : memref<10112x128xf32, #tpu.memory_space<hbm>>) target(%arg12 : memref<128x128xf32, #tpu.memory_space<vmem>>) offsets(%arg9 : memref<128xi32, #tpu.memory_space<vmem>>) semaphore(%arg14 : memref<!tpu.dma_semaphore, #tpu.memory_space<semaphore_mem>>)
    %dma_wait3A = arith.constant 0 : i32
    %dma_wait3A_22 = arith.constant 0 : i32
    %dma_wait3A_23 = tpu.memref_slice %arg2[%dma_wait3A, %dma_wait3A_22] : memref<10112x128xf32, #tpu.memory_space<hbm>> -> memref<10112x128xf32, #tpu.memory_space<hbm>>
    tpu.wait_indirect_dma semaphore(%arg13 : memref<!tpu.dma_semaphore, #tpu.memory_space<semaphore_mem>>) src(%dma_wait3A_23 : memref<10112x128xf32, #tpu.memory_space<hbm>>) dst(%arg11 : memref<128x128xf32, #tpu.memory_space<vmem>>)
    %dma_start3A_24 = arith.constant 0 : i32
    %dma_start3A_25 = arith.constant 0 : i32
    %dma_start3A_26 = tpu.memref_slice %arg16[%dma_start3A_24, %dma_start3A_25] : memref<10112x128xf32, #tpu.memory_space<vmem_shared>> -> memref<10112x128xf32, #tpu.memory_space<vmem_shared>>
    tpu.enqueue_indirect_dma source(%arg11 : memref<128x128xf32, #tpu.memory_space<vmem>>) target(%dma_start3A_26 : memref<10112x128xf32, #tpu.memory_space<vmem_shared>>) offsets(%arg8 : memref<128xi32, #tpu.memory_space<vmem>>) semaphore(%arg15 : memref<!tpu.dma_semaphore, #tpu.memory_space<semaphore_mem>>) {add = true}
    %sub3A = arith.constant 2 : i32
    %sub3A_27 = arith.subi %select_n3A, %sub3A : i32
    %jit3A_28 = arith.constant 2 : i32
    %div3A = arith.divsi %sub3A_27, %jit3A_28 : i32
    %sign3A = arith.constant 0 : i32
    %sign3A_29 = arith.cmpi sgt, %sub3A_27, %sign3A : i32
    %sign3A_30 = arith.extui %sign3A_29 : i1 to i32
    %sign3A_31 = arith.constant 0 : i32
    %sign3A_32 = arith.cmpi slt, %sub3A_27, %sign3A_31 : i32
    %sign3A_33 = arith.extui %sign3A_32 : i1 to i32
    %sign3A_34 = arith.subi %sign3A_30, %sign3A_33 : i32
    %sign3A_35 = arith.constant 0 : i32
    %sign3A_36 = arith.cmpi sgt, %jit3A_28, %sign3A_35 : i32
    %sign3A_37 = arith.extui %sign3A_36 : i1 to i32
    %sign3A_38 = arith.constant 0 : i32
    %sign3A_39 = arith.cmpi slt, %jit3A_28, %sign3A_38 : i32
    %sign3A_40 = arith.extui %sign3A_39 : i1 to i32
    %sign3A_41 = arith.subi %sign3A_37, %sign3A_40 : i32
    %ne3A = arith.cmpi ne, %sign3A_34, %sign3A_41 : i32
    %rem3A = arith.remsi %sub3A_27, %jit3A_28 : i32
    %ne3A_42 = arith.constant 0 : i32
    %ne3A_43 = arith.cmpi ne, %rem3A, %ne3A_42 : i32
    %and3A = arith.andi %ne3A, %ne3A_43 : i1
    %sub3A_44 = arith.constant 1 : i32
    %sub3A_45 = arith.subi %div3A, %sub3A_44 : i32
    %select_n3A_46 = arith.select %and3A, %sub3A_45, %div3A : i32
    %while3A = arith.constant 0 : i32
    %while3A_47 = arith.constant 0 : i32
    %while3A_48 = arith.subi %select_n3A_46, %while3A_47 : i32
    %while3A_49 = arith.addi %while3A_47, %while3A_48 : i32
    %while3A_50 = arith.constant 1 : i32
    %while3A_51 = arith.divsi %while3A_48, %while3A_50 : i32
    %while3A_52 = arith.muli %while3A_51, %while3A_50 : i32
    %while3A_53 = arith.addi %while3A_47, %while3A_52 : i32
    %while3A_54 = arith.constant 1 : i32
    scf.for %while3A_72 = %while3A_47 to %while3A_53 step %while3A_54  : i32 {
      %mul3A_73 = arith.constant 2 : i32
      %mul3A_74 = arith.muli %while3A_72, %mul3A_73 : i32
      %add3A_75 = arith.constant 1 : i32
      %add3A_76 = arith.addi %add3A_75, %mul3A_74 : i32
      %dma_wait3A_77 = arith.constant 0 : i32
      %dma_wait3A_78 = arith.constant 0 : i32
      %dma_wait3A_79 = tpu.memref_slice %arg16[%dma_wait3A_77, %dma_wait3A_78] : memref<10112x128xf32, #tpu.memory_space<vmem_shared>> -> memref<10112x128xf32, #tpu.memory_space<vmem_shared>>
      tpu.wait_indirect_dma semaphore(%arg15 : memref<!tpu.dma_semaphore, #tpu.memory_space<semaphore_mem>>) src(%arg11 : memref<128x128xf32, #tpu.memory_space<vmem>>) dst(%dma_wait3A_79 : memref<10112x128xf32, #tpu.memory_space<vmem_shared>>)
      %add3A_80 = arith.constant 1 : i32
      %add3A_81 = arith.addi %add3A_76, %add3A_80 : i32
      %mul3A_82 = arith.constant 128 : i32
      %mul3A_83 = arith.muli %add3A_81, %mul3A_82 : i32
      %add3A_84 = arith.addi %mul3A_12, %mul3A_83 : i32
      "tpu.region"() ({
        %run_scoped3A = tpu.sem_alloc : memref<!tpu.dma_semaphore, #tpu.memory_space<semaphore_mem>>
        %dma_start3A_113 = tpu.memref_slice %arg3[%add3A_84] : memref<327680xi32, #tpu.memory_space<hbm>> -> memref<128xi32, #tpu.memory_space<hbm>>
        %dma_start3A_114 = tpu.memref_slice %arg3[%add3A_84] : memref<327680xi32, #tpu.memory_space<hbm>> -> memref<128xi32, #tpu.memory_space<hbm>>
        tpu.enqueue_dma source(%dma_start3A_114 : memref<128xi32, #tpu.memory_space<hbm>>) target(%arg7 : memref<128xi32, #tpu.memory_space<vmem>>) target_semaphore(%run_scoped3A : memref<!tpu.dma_semaphore, #tpu.memory_space<semaphore_mem>>)
        %dma_wait3A_115 = tpu.memref_slice %arg3[%add3A_84] : memref<327680xi32, #tpu.memory_space<hbm>> -> memref<128xi32, #tpu.memory_space<hbm>>
        %dma_wait3A_116 = tpu.memref_slice %arg3[%add3A_84] : memref<327680xi32, #tpu.memory_space<hbm>> -> memref<128xi32, #tpu.memory_space<hbm>>
        tpu.wait_dma2 semaphore(%run_scoped3A : memref<!tpu.dma_semaphore, #tpu.memory_space<semaphore_mem>>) src(%dma_wait3A_116 : memref<128xi32, #tpu.memory_space<hbm>>) dst(%arg7 : memref<128xi32, #tpu.memory_space<vmem>>)
        tpu.yield
      }) : () -> ()
      "tpu.region"() ({
        %run_scoped3A = tpu.sem_alloc : memref<!tpu.dma_semaphore, #tpu.memory_space<semaphore_mem>>
        %dma_start3A_113 = tpu.memref_slice %arg4[%add3A_84] : memref<327680xi32, #tpu.memory_space<hbm>> -> memref<128xi32, #tpu.memory_space<hbm>>
        %dma_start3A_114 = tpu.memref_slice %arg4[%add3A_84] : memref<327680xi32, #tpu.memory_space<hbm>> -> memref<128xi32, #tpu.memory_space<hbm>>
        tpu.enqueue_dma source(%dma_start3A_114 : memref<128xi32, #tpu.memory_space<hbm>>) target(%arg8 : memref<128xi32, #tpu.memory_space<vmem>>) target_semaphore(%run_scoped3A : memref<!tpu.dma_semaphore, #tpu.memory_space<semaphore_mem>>)
        %dma_wait3A_115 = tpu.memref_slice %arg4[%add3A_84] : memref<327680xi32, #tpu.memory_space<hbm>> -> memref<128xi32, #tpu.memory_space<hbm>>
        %dma_wait3A_116 = tpu.memref_slice %arg4[%add3A_84] : memref<327680xi32, #tpu.memory_space<hbm>> -> memref<128xi32, #tpu.memory_space<hbm>>
        tpu.wait_dma2 semaphore(%run_scoped3A : memref<!tpu.dma_semaphore, #tpu.memory_space<semaphore_mem>>) src(%dma_wait3A_116 : memref<128xi32, #tpu.memory_space<hbm>>) dst(%arg8 : memref<128xi32, #tpu.memory_space<vmem>>)
        tpu.yield
      }) : () -> ()
      %dma_start3A_85 = arith.constant 0 : i32
      %dma_start3A_86 = arith.constant 0 : i32
      %dma_start3A_87 = tpu.memref_slice %arg2[%dma_start3A_85, %dma_start3A_86] : memref<10112x128xf32, #tpu.memory_space<hbm>> -> memref<10112x128xf32, #tpu.memory_space<hbm>>
      tpu.enqueue_indirect_dma source(%dma_start3A_87 : memref<10112x128xf32, #tpu.memory_space<hbm>>) target(%arg11 : memref<128x128xf32, #tpu.memory_space<vmem>>) offsets(%arg7 : memref<128xi32, #tpu.memory_space<vmem>>) semaphore(%arg13 : memref<!tpu.dma_semaphore, #tpu.memory_space<semaphore_mem>>)
      %dma_wait3A_88 = arith.constant 0 : i32
      %dma_wait3A_89 = arith.constant 0 : i32
      %dma_wait3A_90 = tpu.memref_slice %arg2[%dma_wait3A_88, %dma_wait3A_89] : memref<10112x128xf32, #tpu.memory_space<hbm>> -> memref<10112x128xf32, #tpu.memory_space<hbm>>
      tpu.wait_indirect_dma semaphore(%arg14 : memref<!tpu.dma_semaphore, #tpu.memory_space<semaphore_mem>>) src(%dma_wait3A_90 : memref<10112x128xf32, #tpu.memory_space<hbm>>) dst(%arg12 : memref<128x128xf32, #tpu.memory_space<vmem>>)
      %dma_start3A_91 = arith.constant 0 : i32
      %dma_start3A_92 = arith.constant 0 : i32
      %dma_start3A_93 = tpu.memref_slice %arg16[%dma_start3A_91, %dma_start3A_92] : memref<10112x128xf32, #tpu.memory_space<vmem_shared>> -> memref<10112x128xf32, #tpu.memory_space<vmem_shared>>
      tpu.enqueue_indirect_dma source(%arg12 : memref<128x128xf32, #tpu.memory_space<vmem>>) target(%dma_start3A_93 : memref<10112x128xf32, #tpu.memory_space<vmem_shared>>) offsets(%arg10 : memref<128xi32, #tpu.memory_space<vmem>>) semaphore(%arg15 : memref<!tpu.dma_semaphore, #tpu.memory_space<semaphore_mem>>) {add = true}
      %add3A_94 = arith.constant 1 : i32
      %add3A_95 = arith.addi %add3A_76, %add3A_94 : i32
      %dma_wait3A_96 = arith.constant 0 : i32
      %dma_wait3A_97 = arith.constant 0 : i32
      %dma_wait3A_98 = tpu.memref_slice %arg16[%dma_wait3A_96, %dma_wait3A_97] : memref<10112x128xf32, #tpu.memory_space<vmem_shared>> -> memref<10112x128xf32, #tpu.memory_space<vmem_shared>>
      tpu.wait_indirect_dma semaphore(%arg15 : memref<!tpu.dma_semaphore, #tpu.memory_space<semaphore_mem>>) src(%arg12 : memref<128x128xf32, #tpu.memory_space<vmem>>) dst(%dma_wait3A_98 : memref<10112x128xf32, #tpu.memory_space<vmem_shared>>)
      %add3A_99 = arith.constant 1 : i32
      %add3A_100 = arith.addi %add3A_95, %add3A_99 : i32
      %mul3A_101 = arith.constant 128 : i32
      %mul3A_102 = arith.muli %add3A_100, %mul3A_101 : i32
      %add3A_103 = arith.addi %mul3A_12, %mul3A_102 : i32
      "tpu.region"() ({
        %run_scoped3A = tpu.sem_alloc : memref<!tpu.dma_semaphore, #tpu.memory_space<semaphore_mem>>
        %dma_start3A_113 = tpu.memref_slice %arg3[%add3A_103] : memref<327680xi32, #tpu.memory_space<hbm>> -> memref<128xi32, #tpu.memory_space<hbm>>
        %dma_start3A_114 = tpu.memref_slice %arg3[%add3A_103] : memref<327680xi32, #tpu.memory_space<hbm>> -> memref<128xi32, #tpu.memory_space<hbm>>
        tpu.enqueue_dma source(%dma_start3A_114 : memref<128xi32, #tpu.memory_space<hbm>>) target(%arg9 : memref<128xi32, #tpu.memory_space<vmem>>) target_semaphore(%run_scoped3A : memref<!tpu.dma_semaphore, #tpu.memory_space<semaphore_mem>>)
        %dma_wait3A_115 = tpu.memref_slice %arg3[%add3A_103] : memref<327680xi32, #tpu.memory_space<hbm>> -> memref<128xi32, #tpu.memory_space<hbm>>
        %dma_wait3A_116 = tpu.memref_slice %arg3[%add3A_103] : memref<327680xi32, #tpu.memory_space<hbm>> -> memref<128xi32, #tpu.memory_space<hbm>>
        tpu.wait_dma2 semaphore(%run_scoped3A : memref<!tpu.dma_semaphore, #tpu.memory_space<semaphore_mem>>) src(%dma_wait3A_116 : memref<128xi32, #tpu.memory_space<hbm>>) dst(%arg9 : memref<128xi32, #tpu.memory_space<vmem>>)
        tpu.yield
      }) : () -> ()
      "tpu.region"() ({
        %run_scoped3A = tpu.sem_alloc : memref<!tpu.dma_semaphore, #tpu.memory_space<semaphore_mem>>
        %dma_start3A_113 = tpu.memref_slice %arg4[%add3A_103] : memref<327680xi32, #tpu.memory_space<hbm>> -> memref<128xi32, #tpu.memory_space<hbm>>
        %dma_start3A_114 = tpu.memref_slice %arg4[%add3A_103] : memref<327680xi32, #tpu.memory_space<hbm>> -> memref<128xi32, #tpu.memory_space<hbm>>
        tpu.enqueue_dma source(%dma_start3A_114 : memref<128xi32, #tpu.memory_space<hbm>>) target(%arg10 : memref<128xi32, #tpu.memory_space<vmem>>) target_semaphore(%run_scoped3A : memref<!tpu.dma_semaphore, #tpu.memory_space<semaphore_mem>>)
        %dma_wait3A_115 = tpu.memref_slice %arg4[%add3A_103] : memref<327680xi32, #tpu.memory_space<hbm>> -> memref<128xi32, #tpu.memory_space<hbm>>
        %dma_wait3A_116 = tpu.memref_slice %arg4[%add3A_103] : memref<327680xi32, #tpu.memory_space<hbm>> -> memref<128xi32, #tpu.memory_space<hbm>>
        tpu.wait_dma2 semaphore(%run_scoped3A : memref<!tpu.dma_semaphore, #tpu.memory_space<semaphore_mem>>) src(%dma_wait3A_116 : memref<128xi32, #tpu.memory_space<hbm>>) dst(%arg10 : memref<128xi32, #tpu.memory_space<vmem>>)
        tpu.yield
      }) : () -> ()
      %dma_start3A_104 = arith.constant 0 : i32
      %dma_start3A_105 = arith.constant 0 : i32
      %dma_start3A_106 = tpu.memref_slice %arg2[%dma_start3A_104, %dma_start3A_105] : memref<10112x128xf32, #tpu.memory_space<hbm>> -> memref<10112x128xf32, #tpu.memory_space<hbm>>
      tpu.enqueue_indirect_dma source(%dma_start3A_106 : memref<10112x128xf32, #tpu.memory_space<hbm>>) target(%arg12 : memref<128x128xf32, #tpu.memory_space<vmem>>) offsets(%arg9 : memref<128xi32, #tpu.memory_space<vmem>>) semaphore(%arg14 : memref<!tpu.dma_semaphore, #tpu.memory_space<semaphore_mem>>)
      %dma_wait3A_107 = arith.constant 0 : i32
      %dma_wait3A_108 = arith.constant 0 : i32
      %dma_wait3A_109 = tpu.memref_slice %arg2[%dma_wait3A_107, %dma_wait3A_108] : memref<10112x128xf32, #tpu.memory_space<hbm>> -> memref<10112x128xf32, #tpu.memory_space<hbm>>
      tpu.wait_indirect_dma semaphore(%arg13 : memref<!tpu.dma_semaphore, #tpu.memory_space<semaphore_mem>>) src(%dma_wait3A_109 : memref<10112x128xf32, #tpu.memory_space<hbm>>) dst(%arg11 : memref<128x128xf32, #tpu.memory_space<vmem>>)
      %dma_start3A_110 = arith.constant 0 : i32
      %dma_start3A_111 = arith.constant 0 : i32
      %dma_start3A_112 = tpu.memref_slice %arg16[%dma_start3A_110, %dma_start3A_111] : memref<10112x128xf32, #tpu.memory_space<vmem_shared>> -> memref<10112x128xf32, #tpu.memory_space<vmem_shared>>
      tpu.enqueue_indirect_dma source(%arg11 : memref<128x128xf32, #tpu.memory_space<vmem>>) target(%dma_start3A_112 : memref<10112x128xf32, #tpu.memory_space<vmem_shared>>) offsets(%arg8 : memref<128xi32, #tpu.memory_space<vmem>>) semaphore(%arg15 : memref<!tpu.dma_semaphore, #tpu.memory_space<semaphore_mem>>) {add = true}
    }
    %while3A_55 = arith.constant 1 : i32
    scf.for %while3A_72 = %while3A_53 to %while3A_49 step %while3A_55  : i32 {
      %mul3A_73 = arith.constant 2 : i32
      %mul3A_74 = arith.muli %while3A_72, %mul3A_73 : i32
      %add3A_75 = arith.constant 1 : i32
      %add3A_76 = arith.addi %add3A_75, %mul3A_74 : i32
      %dma_wait3A_77 = arith.constant 0 : i32
      %dma_wait3A_78 = arith.constant 0 : i32
      %dma_wait3A_79 = tpu.memref_slice %arg16[%dma_wait3A_77, %dma_wait3A_78] : memref<10112x128xf32, #tpu.memory_space<vmem_shared>> -> memref<10112x128xf32, #tpu.memory_space<vmem_shared>>
      tpu.wait_indirect_dma semaphore(%arg15 : memref<!tpu.dma_semaphore, #tpu.memory_space<semaphore_mem>>) src(%arg11 : memref<128x128xf32, #tpu.memory_space<vmem>>) dst(%dma_wait3A_79 : memref<10112x128xf32, #tpu.memory_space<vmem_shared>>)
      %add3A_80 = arith.constant 1 : i32
      %add3A_81 = arith.addi %add3A_76, %add3A_80 : i32
      %mul3A_82 = arith.constant 128 : i32
      %mul3A_83 = arith.muli %add3A_81, %mul3A_82 : i32
      %add3A_84 = arith.addi %mul3A_12, %mul3A_83 : i32
      "tpu.region"() ({
        %run_scoped3A = tpu.sem_alloc : memref<!tpu.dma_semaphore, #tpu.memory_space<semaphore_mem>>
        %dma_start3A_113 = tpu.memref_slice %arg3[%add3A_84] : memref<327680xi32, #tpu.memory_space<hbm>> -> memref<128xi32, #tpu.memory_space<hbm>>
        %dma_start3A_114 = tpu.memref_slice %arg3[%add3A_84] : memref<327680xi32, #tpu.memory_space<hbm>> -> memref<128xi32, #tpu.memory_space<hbm>>
        tpu.enqueue_dma source(%dma_start3A_114 : memref<128xi32, #tpu.memory_space<hbm>>) target(%arg7 : memref<128xi32, #tpu.memory_space<vmem>>) target_semaphore(%run_scoped3A : memref<!tpu.dma_semaphore, #tpu.memory_space<semaphore_mem>>)
        %dma_wait3A_115 = tpu.memref_slice %arg3[%add3A_84] : memref<327680xi32, #tpu.memory_space<hbm>> -> memref<128xi32, #tpu.memory_space<hbm>>
        %dma_wait3A_116 = tpu.memref_slice %arg3[%add3A_84] : memref<327680xi32, #tpu.memory_space<hbm>> -> memref<128xi32, #tpu.memory_space<hbm>>
        tpu.wait_dma2 semaphore(%run_scoped3A : memref<!tpu.dma_semaphore, #tpu.memory_space<semaphore_mem>>) src(%dma_wait3A_116 : memref<128xi32, #tpu.memory_space<hbm>>) dst(%arg7 : memref<128xi32, #tpu.memory_space<vmem>>)
        tpu.yield
      }) : () -> ()
      "tpu.region"() ({
        %run_scoped3A = tpu.sem_alloc : memref<!tpu.dma_semaphore, #tpu.memory_space<semaphore_mem>>
        %dma_start3A_113 = tpu.memref_slice %arg4[%add3A_84] : memref<327680xi32, #tpu.memory_space<hbm>> -> memref<128xi32, #tpu.memory_space<hbm>>
        %dma_start3A_114 = tpu.memref_slice %arg4[%add3A_84] : memref<327680xi32, #tpu.memory_space<hbm>> -> memref<128xi32, #tpu.memory_space<hbm>>
        tpu.enqueue_dma source(%dma_start3A_114 : memref<128xi32, #tpu.memory_space<hbm>>) target(%arg8 : memref<128xi32, #tpu.memory_space<vmem>>) target_semaphore(%run_scoped3A : memref<!tpu.dma_semaphore, #tpu.memory_space<semaphore_mem>>)
        %dma_wait3A_115 = tpu.memref_slice %arg4[%add3A_84] : memref<327680xi32, #tpu.memory_space<hbm>> -> memref<128xi32, #tpu.memory_space<hbm>>
        %dma_wait3A_116 = tpu.memref_slice %arg4[%add3A_84] : memref<327680xi32, #tpu.memory_space<hbm>> -> memref<128xi32, #tpu.memory_space<hbm>>
        tpu.wait_dma2 semaphore(%run_scoped3A : memref<!tpu.dma_semaphore, #tpu.memory_space<semaphore_mem>>) src(%dma_wait3A_116 : memref<128xi32, #tpu.memory_space<hbm>>) dst(%arg8 : memref<128xi32, #tpu.memory_space<vmem>>)
        tpu.yield
      }) : () -> ()
      %dma_start3A_85 = arith.constant 0 : i32
      %dma_start3A_86 = arith.constant 0 : i32
      %dma_start3A_87 = tpu.memref_slice %arg2[%dma_start3A_85, %dma_start3A_86] : memref<10112x128xf32, #tpu.memory_space<hbm>> -> memref<10112x128xf32, #tpu.memory_space<hbm>>
      tpu.enqueue_indirect_dma source(%dma_start3A_87 : memref<10112x128xf32, #tpu.memory_space<hbm>>) target(%arg11 : memref<128x128xf32, #tpu.memory_space<vmem>>) offsets(%arg7 : memref<128xi32, #tpu.memory_space<vmem>>) semaphore(%arg13 : memref<!tpu.dma_semaphore, #tpu.memory_space<semaphore_mem>>)
      %dma_wait3A_88 = arith.constant 0 : i32
      %dma_wait3A_89 = arith.constant 0 : i32
      %dma_wait3A_90 = tpu.memref_slice %arg2[%dma_wait3A_88, %dma_wait3A_89] : memref<10112x128xf32, #tpu.memory_space<hbm>> -> memref<10112x128xf32, #tpu.memory_space<hbm>>
      tpu.wait_indirect_dma semaphore(%arg14 : memref<!tpu.dma_semaphore, #tpu.memory_space<semaphore_mem>>) src(%dma_wait3A_90 : memref<10112x128xf32, #tpu.memory_space<hbm>>) dst(%arg12 : memref<128x128xf32, #tpu.memory_space<vmem>>)
      %dma_start3A_91 = arith.constant 0 : i32
      %dma_start3A_92 = arith.constant 0 : i32
      %dma_start3A_93 = tpu.memref_slice %arg16[%dma_start3A_91, %dma_start3A_92] : memref<10112x128xf32, #tpu.memory_space<vmem_shared>> -> memref<10112x128xf32, #tpu.memory_space<vmem_shared>>
      tpu.enqueue_indirect_dma source(%arg12 : memref<128x128xf32, #tpu.memory_space<vmem>>) target(%dma_start3A_93 : memref<10112x128xf32, #tpu.memory_space<vmem_shared>>) offsets(%arg10 : memref<128xi32, #tpu.memory_space<vmem>>) semaphore(%arg15 : memref<!tpu.dma_semaphore, #tpu.memory_space<semaphore_mem>>) {add = true}
      %add3A_94 = arith.constant 1 : i32
      %add3A_95 = arith.addi %add3A_76, %add3A_94 : i32
      %dma_wait3A_96 = arith.constant 0 : i32
      %dma_wait3A_97 = arith.constant 0 : i32
      %dma_wait3A_98 = tpu.memref_slice %arg16[%dma_wait3A_96, %dma_wait3A_97] : memref<10112x128xf32, #tpu.memory_space<vmem_shared>> -> memref<10112x128xf32, #tpu.memory_space<vmem_shared>>
      tpu.wait_indirect_dma semaphore(%arg15 : memref<!tpu.dma_semaphore, #tpu.memory_space<semaphore_mem>>) src(%arg12 : memref<128x128xf32, #tpu.memory_space<vmem>>) dst(%dma_wait3A_98 : memref<10112x128xf32, #tpu.memory_space<vmem_shared>>)
      %add3A_99 = arith.constant 1 : i32
      %add3A_100 = arith.addi %add3A_95, %add3A_99 : i32
      %mul3A_101 = arith.constant 128 : i32
      %mul3A_102 = arith.muli %add3A_100, %mul3A_101 : i32
      %add3A_103 = arith.addi %mul3A_12, %mul3A_102 : i32
      "tpu.region"() ({
        %run_scoped3A = tpu.sem_alloc : memref<!tpu.dma_semaphore, #tpu.memory_space<semaphore_mem>>
        %dma_start3A_113 = tpu.memref_slice %arg3[%add3A_103] : memref<327680xi32, #tpu.memory_space<hbm>> -> memref<128xi32, #tpu.memory_space<hbm>>
        %dma_start3A_114 = tpu.memref_slice %arg3[%add3A_103] : memref<327680xi32, #tpu.memory_space<hbm>> -> memref<128xi32, #tpu.memory_space<hbm>>
        tpu.enqueue_dma source(%dma_start3A_114 : memref<128xi32, #tpu.memory_space<hbm>>) target(%arg9 : memref<128xi32, #tpu.memory_space<vmem>>) target_semaphore(%run_scoped3A : memref<!tpu.dma_semaphore, #tpu.memory_space<semaphore_mem>>)
        %dma_wait3A_115 = tpu.memref_slice %arg3[%add3A_103] : memref<327680xi32, #tpu.memory_space<hbm>> -> memref<128xi32, #tpu.memory_space<hbm>>
        %dma_wait3A_116 = tpu.memref_slice %arg3[%add3A_103] : memref<327680xi32, #tpu.memory_space<hbm>> -> memref<128xi32, #tpu.memory_space<hbm>>
        tpu.wait_dma2 semaphore(%run_scoped3A : memref<!tpu.dma_semaphore, #tpu.memory_space<semaphore_mem>>) src(%dma_wait3A_116 : memref<128xi32, #tpu.memory_space<hbm>>) dst(%arg9 : memref<128xi32, #tpu.memory_space<vmem>>)
        tpu.yield
      }) : () -> ()
      "tpu.region"() ({
        %run_scoped3A = tpu.sem_alloc : memref<!tpu.dma_semaphore, #tpu.memory_space<semaphore_mem>>
        %dma_start3A_113 = tpu.memref_slice %arg4[%add3A_103] : memref<327680xi32, #tpu.memory_space<hbm>> -> memref<128xi32, #tpu.memory_space<hbm>>
        %dma_start3A_114 = tpu.memref_slice %arg4[%add3A_103] : memref<327680xi32, #tpu.memory_space<hbm>> -> memref<128xi32, #tpu.memory_space<hbm>>
        tpu.enqueue_dma source(%dma_start3A_114 : memref<128xi32, #tpu.memory_space<hbm>>) target(%arg10 : memref<128xi32, #tpu.memory_space<vmem>>) target_semaphore(%run_scoped3A : memref<!tpu.dma_semaphore, #tpu.memory_space<semaphore_mem>>)
        %dma_wait3A_115 = tpu.memref_slice %arg4[%add3A_103] : memref<327680xi32, #tpu.memory_space<hbm>> -> memref<128xi32, #tpu.memory_space<hbm>>
        %dma_wait3A_116 = tpu.memref_slice %arg4[%add3A_103] : memref<327680xi32, #tpu.memory_space<hbm>> -> memref<128xi32, #tpu.memory_space<hbm>>
        tpu.wait_dma2 semaphore(%run_scoped3A : memref<!tpu.dma_semaphore, #tpu.memory_space<semaphore_mem>>) src(%dma_wait3A_116 : memref<128xi32, #tpu.memory_space<hbm>>) dst(%arg10 : memref<128xi32, #tpu.memory_space<vmem>>)
        tpu.yield
      }) : () -> ()
      %dma_start3A_104 = arith.constant 0 : i32
      %dma_start3A_105 = arith.constant 0 : i32
      %dma_start3A_106 = tpu.memref_slice %arg2[%dma_start3A_104, %dma_start3A_105] : memref<10112x128xf32, #tpu.memory_space<hbm>> -> memref<10112x128xf32, #tpu.memory_space<hbm>>
      tpu.enqueue_indirect_dma source(%dma_start3A_106 : memref<10112x128xf32, #tpu.memory_space<hbm>>) target(%arg12 : memref<128x128xf32, #tpu.memory_space<vmem>>) offsets(%arg9 : memref<128xi32, #tpu.memory_space<vmem>>) semaphore(%arg14 : memref<!tpu.dma_semaphore, #tpu.memory_space<semaphore_mem>>)
      %dma_wait3A_107 = arith.constant 0 : i32
      %dma_wait3A_108 = arith.constant 0 : i32
      %dma_wait3A_109 = tpu.memref_slice %arg2[%dma_wait3A_107, %dma_wait3A_108] : memref<10112x128xf32, #tpu.memory_space<hbm>> -> memref<10112x128xf32, #tpu.memory_space<hbm>>
      tpu.wait_indirect_dma semaphore(%arg13 : memref<!tpu.dma_semaphore, #tpu.memory_space<semaphore_mem>>) src(%dma_wait3A_109 : memref<10112x128xf32, #tpu.memory_space<hbm>>) dst(%arg11 : memref<128x128xf32, #tpu.memory_space<vmem>>)
      %dma_start3A_110 = arith.constant 0 : i32
      %dma_start3A_111 = arith.constant 0 : i32
      %dma_start3A_112 = tpu.memref_slice %arg16[%dma_start3A_110, %dma_start3A_111] : memref<10112x128xf32, #tpu.memory_space<vmem_shared>> -> memref<10112x128xf32, #tpu.memory_space<vmem_shared>>
      tpu.enqueue_indirect_dma source(%arg11 : memref<128x128xf32, #tpu.memory_space<vmem>>) target(%dma_start3A_112 : memref<10112x128xf32, #tpu.memory_space<vmem_shared>>) offsets(%arg8 : memref<128xi32, #tpu.memory_space<vmem>>) semaphore(%arg15 : memref<!tpu.dma_semaphore, #tpu.memory_space<semaphore_mem>>) {add = true}
    }
    %dma_wait3A_56 = arith.constant 0 : i32
    %dma_wait3A_57 = arith.constant 0 : i32
    %dma_wait3A_58 = tpu.memref_slice %arg16[%dma_wait3A_56, %dma_wait3A_57] : memref<10112x128xf32, #tpu.memory_space<vmem_shared>> -> memref<10112x128xf32, #tpu.memory_space<vmem_shared>>
    tpu.wait_indirect_dma semaphore(%arg15 : memref<!tpu.dma_semaphore, #tpu.memory_space<semaphore_mem>>) src(%arg11 : memref<128x128xf32, #tpu.memory_space<vmem>>) dst(%dma_wait3A_58 : memref<10112x128xf32, #tpu.memory_space<vmem_shared>>)
    %dma_wait3A_59 = arith.constant 0 : i32
    %dma_wait3A_60 = arith.constant 0 : i32
    %dma_wait3A_61 = tpu.memref_slice %arg2[%dma_wait3A_59, %dma_wait3A_60] : memref<10112x128xf32, #tpu.memory_space<hbm>> -> memref<10112x128xf32, #tpu.memory_space<hbm>>
    tpu.wait_indirect_dma semaphore(%arg14 : memref<!tpu.dma_semaphore, #tpu.memory_space<semaphore_mem>>) src(%dma_wait3A_61 : memref<10112x128xf32, #tpu.memory_space<hbm>>) dst(%arg12 : memref<128x128xf32, #tpu.memory_space<vmem>>)
    %dma_start3A_62 = arith.constant 0 : i32
    %dma_start3A_63 = arith.constant 0 : i32
    %dma_start3A_64 = tpu.memref_slice %arg16[%dma_start3A_62, %dma_start3A_63] : memref<10112x128xf32, #tpu.memory_space<vmem_shared>> -> memref<10112x128xf32, #tpu.memory_space<vmem_shared>>
    tpu.enqueue_indirect_dma source(%arg12 : memref<128x128xf32, #tpu.memory_space<vmem>>) target(%dma_start3A_64 : memref<10112x128xf32, #tpu.memory_space<vmem_shared>>) offsets(%arg10 : memref<128xi32, #tpu.memory_space<vmem>>) semaphore(%arg15 : memref<!tpu.dma_semaphore, #tpu.memory_space<semaphore_mem>>) {add = true}
    %dma_wait3A_65 = arith.constant 0 : i32
    %dma_wait3A_66 = arith.constant 0 : i32
    %dma_wait3A_67 = tpu.memref_slice %arg16[%dma_wait3A_65, %dma_wait3A_66] : memref<10112x128xf32, #tpu.memory_space<vmem_shared>> -> memref<10112x128xf32, #tpu.memory_space<vmem_shared>>
    tpu.wait_indirect_dma semaphore(%arg15 : memref<!tpu.dma_semaphore, #tpu.memory_space<semaphore_mem>>) src(%arg12 : memref<128x128xf32, #tpu.memory_space<vmem>>) dst(%dma_wait3A_67 : memref<10112x128xf32, #tpu.memory_space<vmem_shared>>)
    %barrier3A_68 = arith.constant 0 : index
    tpu.barrier barrier_id(%barrier3A_68)
    %mul3A_69 = arith.constant 10112 : i32
    %mul3A_70 = arith.muli %arg0, %mul3A_69 : i32
    %add3A_71 = arith.addi %mul3A_70, %mul3A_0 : i32
    "tpu.region"() ({
      %run_scoped3A = tpu.sem_alloc : memref<!tpu.dma_semaphore, #tpu.memory_space<semaphore_mem>>
      %dma_start3A_72 = arith.constant 0 : i32
      %dma_start3A_73 = tpu.memref_slice %arg6[%add3A_71, %dma_start3A_72] : memref<20224x128xf32, #tpu.memory_space<hbm>> -> memref<632x128xf32, #tpu.memory_space<hbm>>
      %dma_start3A_74 = arith.constant 0 : i32
      %dma_start3A_75 = tpu.memref_slice %arg16[%mul3A_0, %dma_start3A_74] : memref<10112x128xf32, #tpu.memory_space<vmem_shared>> -> memref<632x128xf32, #tpu.memory_space<vmem_shared>>
      tpu.enqueue_dma source(%dma_start3A_75 : memref<632x128xf32, #tpu.memory_space<vmem_shared>>) target(%dma_start3A_73 : memref<632x128xf32, #tpu.memory_space<hbm>>) target_semaphore(%run_scoped3A : memref<!tpu.dma_semaphore, #tpu.memory_space<semaphore_mem>>)
      %dma_wait3A_76 = arith.constant 0 : i32
      %dma_wait3A_77 = tpu.memref_slice %arg6[%add3A_71, %dma_wait3A_76] : memref<20224x128xf32, #tpu.memory_space<hbm>> -> memref<632x128xf32, #tpu.memory_space<hbm>>
      %dma_wait3A_78 = arith.constant 0 : i32
      %dma_wait3A_79 = tpu.memref_slice %arg16[%mul3A_0, %dma_wait3A_78] : memref<10112x128xf32, #tpu.memory_space<vmem_shared>> -> memref<632x128xf32, #tpu.memory_space<vmem_shared>>
      tpu.wait_dma2 semaphore(%run_scoped3A : memref<!tpu.dma_semaphore, #tpu.memory_space<semaphore_mem>>) src(%dma_wait3A_79 : memref<632x128xf32, #tpu.memory_space<vmem_shared>>) dst(%dma_wait3A_77 : memref<632x128xf32, #tpu.memory_space<hbm>>)
      tpu.yield
    }) : () -> ()
    return
  }
}

module attributes {stable_mosaic.version = 14 : i64} {
  func.func @body(%arg0: memref<10000x128xf32, #tpu.memory_space<vmem>>, %arg1: memref<128x128xf32, #tpu.memory_space<vmem>>, %arg2: memref<1x128xf32, #tpu.memory_space<vmem>>, %arg3: memref<1x128xf32, #tpu.memory_space<vmem>>, %arg4: memref<1x128xf32, #tpu.memory_space<vmem>>, %arg5: memref<20224x16xf32, #tpu.memory_space<vmem>>, %arg6: memref<10112x128xf32, #tpu.memory_space<vmem>>, %arg7: memref<10112x128xf32, #tpu.memory_space<vmem>>) attributes {dimension_semantics = [], scalar_prefetch = 0 : i64, scratch_operands = 0 : i64, tpu.core_type = #tpu.core_type<tc>} {
    %get3A = arith.constant 0 : index
    %get3A_0 = arith.constant 0 : index
    %get3A_1 = vector.load %arg0[%get3A, %get3A_0] : memref<10000x128xf32, #tpu.memory_space<vmem>>, vector<10000x128xf32>
    %get3A_2 = arith.constant 0 : index
    %get3A_3 = arith.constant 0 : index
    %get3A_4 = vector.load %arg1[%get3A_2, %get3A_3] : memref<128x128xf32, #tpu.memory_space<vmem>>, vector<128x128xf32>
    %dot_general3A = arith.constant dense<0.000000e+00> : vector<10000x128xf32>
    %dot_general3A_5 = tpu.matmul %get3A_1, %get3A_4, %dot_general3A {dimension_numbers = #tpu.dot_dimension_numbers<[1], [0], [0], [1], [0, 0, 1, 1], [], []>, transpose_lhs_hint = false} : vector<10000x128xf32>, vector<128x128xf32>, vector<10000x128xf32> -> vector<10000x128xf32>
    %get3A_6 = arith.constant 0 : index
    %get3A_7 = arith.constant 0 : index
    %get3A_8 = vector.load %arg2[%get3A_6, %get3A_7] : memref<1x128xf32, #tpu.memory_space<vmem>>, vector<1x128xf32>
    %add3A = vector.broadcast %get3A_8 : vector<1x128xf32> to vector<10000x128xf32>
    %add3A_9 = arith.addf %dot_general3A_5, %add3A : vector<10000x128xf32>
    %reduce_sum3A = arith.constant dense<0.000000e+00> : vector<128xf32>
    %reduce_sum3A_10 = vector.multi_reduction <add>, %add3A_9, %reduce_sum3A [0] : vector<10000x128xf32> to vector<128xf32>
    %broadcast_in_dim3A = vector.shape_cast %reduce_sum3A_10 : vector<128xf32> to vector<1x128xf32>
    %div3A = arith.constant 1.000000e+04 : f32
    %div3A_11 = vector.broadcast %div3A : f32 to vector<1x128xf32>
    %div3A_12 = arith.divf %broadcast_in_dim3A, %div3A_11 : vector<1x128xf32>
    %sub3A = vector.broadcast %div3A_12 : vector<1x128xf32> to vector<10000x128xf32>
    %sub3A_13 = arith.subf %add3A_9, %sub3A : vector<10000x128xf32>
    %mul3A = arith.mulf %sub3A_13, %sub3A_13 : vector<10000x128xf32>
    %reduce_sum3A_14 = arith.constant dense<0.000000e+00> : vector<128xf32>
    %reduce_sum3A_15 = vector.multi_reduction <add>, %mul3A, %reduce_sum3A_14 [0] : vector<10000x128xf32> to vector<128xf32>
    %broadcast_in_dim3A_16 = vector.shape_cast %reduce_sum3A_15 : vector<128xf32> to vector<1x128xf32>
    %div3A_17 = arith.constant 1.000000e+04 : f32
    %div3A_18 = vector.broadcast %div3A_17 : f32 to vector<1x128xf32>
    %div3A_19 = arith.divf %broadcast_in_dim3A_16, %div3A_18 : vector<1x128xf32>
    %add3A_20 = arith.constant 9.99999974E-6 : f32
    %add3A_21 = vector.broadcast %add3A_20 : f32 to vector<1x128xf32>
    %add3A_22 = arith.addf %div3A_19, %add3A_21 : vector<1x128xf32>
    %rsqrt3A = math.rsqrt %add3A_22 : vector<1x128xf32>
    %mul3A_23 = vector.broadcast %rsqrt3A : vector<1x128xf32> to vector<10000x128xf32>
    %mul3A_24 = arith.mulf %sub3A_13, %mul3A_23 : vector<10000x128xf32>
    %get3A_25 = arith.constant 0 : index
    %get3A_26 = arith.constant 0 : index
    %get3A_27 = vector.load %arg3[%get3A_25, %get3A_26] : memref<1x128xf32, #tpu.memory_space<vmem>>, vector<1x128xf32>
    %mul3A_28 = vector.broadcast %get3A_27 : vector<1x128xf32> to vector<10000x128xf32>
    %mul3A_29 = arith.mulf %mul3A_24, %mul3A_28 : vector<10000x128xf32>
    %get3A_30 = arith.constant 0 : index
    %get3A_31 = arith.constant 0 : index
    %get3A_32 = vector.load %arg4[%get3A_30, %get3A_31] : memref<1x128xf32, #tpu.memory_space<vmem>>, vector<1x128xf32>
    %add3A_33 = vector.broadcast %get3A_32 : vector<1x128xf32> to vector<10000x128xf32>
    %add3A_34 = arith.addf %mul3A_29, %add3A_33 : vector<10000x128xf32>
    %get3A_35 = arith.constant 0 : index
    %get3A_36 = arith.constant 0 : index
    %get3A_37 = vector.load %arg5[%get3A_35, %get3A_36] : memref<20224x16xf32, #tpu.memory_space<vmem>>, vector<10112x16xf32>
    %get3A_38 = arith.constant 10112 : index
    %get3A_39 = arith.constant 0 : index
    %get3A_40 = vector.load %arg5[%get3A_38, %get3A_39] : memref<20224x16xf32, #tpu.memory_space<vmem>>, vector<10112x16xf32>
    %add3A_41 = arith.addf %get3A_37, %get3A_40 : vector<10112x16xf32>
    %reduce_sum3A_42 = arith.constant dense<0.000000e+00> : vector<10112xf32>
    %reduce_sum3A_43 = vector.multi_reduction <add>, %add3A_41, %reduce_sum3A_42 [1] : vector<10112x16xf32> to vector<10112xf32>
    %broadcast_in_dim3A_44 = vector.shape_cast %reduce_sum3A_43 : vector<10112xf32> to vector<10112x1xf32>
    %add3A_45 = arith.constant 1.000000e+00 : f32
    %add3A_46 = vector.broadcast %add3A_45 : f32 to vector<10112x1xf32>
    %add3A_47 = arith.addf %broadcast_in_dim3A_44, %add3A_46 : vector<10112x1xf32>
    %rsqrt3A_48 = math.rsqrt %add3A_47 : vector<10112x1xf32>
    %iota3A = tpu.iota {dimensions = array<i32: 0>} : vector<10112x1xi32>
    %lt3A = arith.constant 10000 : i32
    %lt3A_49 = vector.broadcast %lt3A : i32 to vector<10112x1xi32>
    %lt3A_50 = arith.cmpi slt, %iota3A, %lt3A_49 : vector<10112x1xi32>
    %jit3A = arith.constant 0.000000e+00 : f32
    %broadcast_in_dim3A_51 = vector.broadcast %jit3A : f32 to vector<10112x1xf32>
    %select_n3A = arith.select %lt3A_50, %rsqrt3A_48, %broadcast_in_dim3A_51 : vector<10112x1xi1>, vector<10112x1xf32>
    %broadcast_in_dim3A_52 = vector.shape_cast %select_n3A : vector<10112x1xf32> to vector<10112x1xf32>
    %broadcast_in_dim3A_53 = vector.broadcast %broadcast_in_dim3A_52 : vector<10112x1xf32> to vector<10112x128xf32>
    %swap3A = arith.constant 0 : index
    %swap3A_54 = arith.constant 0 : index
    %swap3A_55 = vector.load %arg7[%swap3A, %swap3A_54] : memref<10112x128xf32, #tpu.memory_space<vmem>>, vector<10112x128xf32>
    tpu.vector_store %arg7[%swap3A, %swap3A_54], %broadcast_in_dim3A_53 {strides = array<i32>} : memref<10112x128xf32, #tpu.memory_space<vmem>>, vector<10112x128xf32>,
    %slice3A = vector.extract_strided_slice %broadcast_in_dim3A_53 {offsets = [0, 0], sizes = [10000, 128], strides = [1, 1]} : vector<10112x128xf32> to vector<10000x128xf32>
    %mul3A_56 = arith.mulf %slice3A, %add3A_34 : vector<10000x128xf32>
    %swap3A_57 = arith.constant 0 : index
    %swap3A_58 = arith.constant 0 : index
    %swap3A_59 = vector.load %arg6[%swap3A_57, %swap3A_58] : memref<10112x128xf32, #tpu.memory_space<vmem>>, vector<10000x128xf32>
    tpu.vector_store %arg6[%swap3A_57, %swap3A_58], %mul3A_56 {strides = array<i32>} : memref<10112x128xf32, #tpu.memory_space<vmem>>, vector<10000x128xf32>,
    %broadcast_in_dim3A_60 = arith.constant 0.000000e+00 : f32
    %broadcast_in_dim3A_61 = vector.broadcast %broadcast_in_dim3A_60 : f32 to vector<112x128xf32>
    %swap3A_62 = arith.constant 10000 : index
    %swap3A_63 = arith.constant 0 : index
    %swap3A_64 = vector.load %arg6[%swap3A_62, %swap3A_63] : memref<10112x128xf32, #tpu.memory_space<vmem>>, vector<112x128xf32>
    tpu.vector_store %arg6[%swap3A_62, %swap3A_63], %broadcast_in_dim3A_61 {strides = array<i32>} : memref<10112x128xf32, #tpu.memory_space<vmem>>, vector<112x128xf32>,
    return
  }
}

module attributes {stable_mosaic.version = 14 : i64} {
  func.func @body(%arg0: memref<20224x128xf32, #tpu.memory_space<vmem>>, %arg1: memref<10112x128xf32, #tpu.memory_space<vmem>>, %arg2: memref<10112x128xf32, #tpu.memory_space<vmem>>, %arg3: memref<128x128xf32, #tpu.memory_space<vmem>>, %arg4: memref<1x128xf32, #tpu.memory_space<vmem>>, %arg5: memref<10112x128xf32, #tpu.memory_space<vmem>>) attributes {dimension_semantics = [], scalar_prefetch = 0 : i64, scratch_operands = 0 : i64, tpu.core_type = #tpu.core_type<tc>} {
    %get3A = arith.constant 0 : index
    %get3A_0 = arith.constant 0 : index
    %get3A_1 = vector.load %arg2[%get3A, %get3A_0] : memref<10112x128xf32, #tpu.memory_space<vmem>>, vector<10112x128xf32>
    %get3A_2 = arith.constant 0 : index
    %get3A_3 = arith.constant 0 : index
    %get3A_4 = vector.load %arg0[%get3A_2, %get3A_3] : memref<20224x128xf32, #tpu.memory_space<vmem>>, vector<10112x128xf32>
    %get3A_5 = arith.constant 10112 : index
    %get3A_6 = arith.constant 0 : index
    %get3A_7 = vector.load %arg0[%get3A_5, %get3A_6] : memref<20224x128xf32, #tpu.memory_space<vmem>>, vector<10112x128xf32>
    %add3A = arith.addf %get3A_4, %get3A_7 : vector<10112x128xf32>
    %get3A_8 = arith.constant 0 : index
    %get3A_9 = arith.constant 0 : index
    %get3A_10 = vector.load %arg1[%get3A_8, %get3A_9] : memref<10112x128xf32, #tpu.memory_space<vmem>>, vector<10112x128xf32>
    %add3A_11 = arith.addf %add3A, %get3A_10 : vector<10112x128xf32>
    %mul3A = arith.mulf %get3A_1, %add3A_11 : vector<10112x128xf32>
    %get3A_12 = arith.constant 0 : index
    %get3A_13 = arith.constant 0 : index
    %get3A_14 = vector.load %arg3[%get3A_12, %get3A_13] : memref<128x128xf32, #tpu.memory_space<vmem>>, vector<128x128xf32>
    %dot_general3A = arith.constant dense<0.000000e+00> : vector<10112x128xf32>
    %dot_general3A_15 = tpu.matmul %mul3A, %get3A_14, %dot_general3A {dimension_numbers = #tpu.dot_dimension_numbers<[1], [0], [0], [1], [0, 0, 1, 1], [], []>, transpose_lhs_hint = false} : vector<10112x128xf32>, vector<128x128xf32>, vector<10112x128xf32> -> vector<10112x128xf32>
    %get3A_16 = arith.constant 0 : index
    %get3A_17 = arith.constant 0 : index
    %get3A_18 = vector.load %arg4[%get3A_16, %get3A_17] : memref<1x128xf32, #tpu.memory_space<vmem>>, vector<1x128xf32>
    %add3A_19 = vector.broadcast %get3A_18 : vector<1x128xf32> to vector<10112x128xf32>
    %add3A_20 = arith.addf %dot_general3A_15, %add3A_19 : vector<10112x128xf32>
    %max3A = arith.constant 0.000000e+00 : f32
    %max3A_21 = vector.broadcast %max3A : f32 to vector<10112x128xf32>
    %max3A_22 = arith.maximumf %add3A_20, %max3A_21 : vector<10112x128xf32>
    %mul3A_23 = arith.mulf %get3A_1, %max3A_22 : vector<10112x128xf32>
    %swap3A = arith.constant 0 : index
    %swap3A_24 = arith.constant 0 : index
    %swap3A_25 = vector.load %arg5[%swap3A, %swap3A_24] : memref<10112x128xf32, #tpu.memory_space<vmem>>, vector<10112x128xf32>
    tpu.vector_store %arg5[%swap3A, %swap3A_24], %mul3A_23 {strides = array<i32>} : memref<10112x128xf32, #tpu.memory_space<vmem>>, vector<10112x128xf32>,
    return
  }
}

module attributes {stable_mosaic.version = 14 : i64} {
  func.func @body(%arg0: memref<20224x128xf32, #tpu.memory_space<vmem>>, %arg1: memref<10112x128xf32, #tpu.memory_space<vmem>>, %arg2: memref<10112x128xf32, #tpu.memory_space<vmem>>, %arg3: memref<128x128xf32, #tpu.memory_space<vmem>>, %arg4: memref<1x128xf32, #tpu.memory_space<vmem>>, %arg5: memref<128x3xf32, #tpu.memory_space<vmem>>, %arg6: memref<1x3xf32, #tpu.memory_space<vmem>>, %arg7: memref<10000x3xf32, #tpu.memory_space<vmem>>) attributes {dimension_semantics = [], scalar_prefetch = 0 : i64, scratch_operands = 0 : i64, tpu.core_type = #tpu.core_type<tc>} {
    %get3A = arith.constant 0 : index
    %get3A_0 = arith.constant 0 : index
    %get3A_1 = vector.load %arg2[%get3A, %get3A_0] : memref<10112x128xf32, #tpu.memory_space<vmem>>, vector<10112x128xf32>
    %get3A_2 = arith.constant 0 : index
    %get3A_3 = arith.constant 0 : index
    %get3A_4 = vector.load %arg0[%get3A_2, %get3A_3] : memref<20224x128xf32, #tpu.memory_space<vmem>>, vector<10112x128xf32>
    %get3A_5 = arith.constant 10112 : index
    %get3A_6 = arith.constant 0 : index
    %get3A_7 = vector.load %arg0[%get3A_5, %get3A_6] : memref<20224x128xf32, #tpu.memory_space<vmem>>, vector<10112x128xf32>
    %add3A = arith.addf %get3A_4, %get3A_7 : vector<10112x128xf32>
    %get3A_8 = arith.constant 0 : index
    %get3A_9 = arith.constant 0 : index
    %get3A_10 = vector.load %arg1[%get3A_8, %get3A_9] : memref<10112x128xf32, #tpu.memory_space<vmem>>, vector<10112x128xf32>
    %add3A_11 = arith.addf %add3A, %get3A_10 : vector<10112x128xf32>
    %mul3A = arith.mulf %get3A_1, %add3A_11 : vector<10112x128xf32>
    %get3A_12 = arith.constant 0 : index
    %get3A_13 = arith.constant 0 : index
    %get3A_14 = vector.load %arg3[%get3A_12, %get3A_13] : memref<128x128xf32, #tpu.memory_space<vmem>>, vector<128x128xf32>
    %dot_general3A = arith.constant dense<0.000000e+00> : vector<10112x128xf32>
    %dot_general3A_15 = tpu.matmul %mul3A, %get3A_14, %dot_general3A {dimension_numbers = #tpu.dot_dimension_numbers<[1], [0], [0], [1], [0, 0, 1, 1], [], []>, transpose_lhs_hint = false} : vector<10112x128xf32>, vector<128x128xf32>, vector<10112x128xf32> -> vector<10112x128xf32>
    %get3A_16 = arith.constant 0 : index
    %get3A_17 = arith.constant 0 : index
    %get3A_18 = vector.load %arg4[%get3A_16, %get3A_17] : memref<1x128xf32, #tpu.memory_space<vmem>>, vector<1x128xf32>
    %add3A_19 = vector.broadcast %get3A_18 : vector<1x128xf32> to vector<10112x128xf32>
    %add3A_20 = arith.addf %dot_general3A_15, %add3A_19 : vector<10112x128xf32>
    %max3A = arith.constant 0.000000e+00 : f32
    %max3A_21 = vector.broadcast %max3A : f32 to vector<10112x128xf32>
    %max3A_22 = arith.maximumf %add3A_20, %max3A_21 : vector<10112x128xf32>
    %slice3A = vector.extract_strided_slice %max3A_22 {offsets = [0, 0], sizes = [10000, 128], strides = [1, 1]} : vector<10112x128xf32> to vector<10000x128xf32>
    %get3A_23 = arith.constant 0 : index
    %get3A_24 = arith.constant 0 : index
    %get3A_25 = vector.load %arg5[%get3A_23, %get3A_24] : memref<128x3xf32, #tpu.memory_space<vmem>>, vector<128x3xf32>
    %dot_general3A_26 = arith.constant dense<0.000000e+00> : vector<10000x3xf32>
    %dot_general3A_27 = tpu.matmul %slice3A, %get3A_25, %dot_general3A_26 {dimension_numbers = #tpu.dot_dimension_numbers<[1], [0], [0], [1], [0, 0, 1, 1], [], []>, transpose_lhs_hint = false} : vector<10000x128xf32>, vector<128x3xf32>, vector<10000x3xf32> -> vector<10000x3xf32>
    %get3A_28 = arith.constant 0 : index
    %get3A_29 = arith.constant 0 : index
    %get3A_30 = vector.load %arg6[%get3A_28, %get3A_29] : memref<1x3xf32, #tpu.memory_space<vmem>>, vector<1x3xf32>
    %add3A_31 = vector.broadcast %get3A_30 : vector<1x3xf32> to vector<10000x3xf32>
    %add3A_32 = arith.addf %dot_general3A_27, %add3A_31 : vector<10000x3xf32>
    %swap3A = arith.constant 0 : index
    %swap3A_33 = arith.constant 0 : index
    %swap3A_34 = vector.load %arg7[%swap3A, %swap3A_33] : memref<10000x3xf32, #tpu.memory_space<vmem>>, vector<10000x3xf32>
    tpu.vector_store %arg7[%swap3A, %swap3A_33], %add3A_32 {strides = array<i32>} : memref<10000x3xf32, #tpu.memory_space<vmem>>, vector<10000x3xf32>,
    return
  }
}

</mosaic_0001>

<sc_bundles>
// kernel: kernel.11.cloned.1.call-start
scs
__scs_entry_jumppad:
0x0: {  	(pc) =	sbr.rel $0x88, $3  }
0x1: {  	(tag) =	ssettag $0x0;
	lr =	simm.s32 $0x1  }
0x2: {  	[smem:$0x3F95] =	sst lr;
	_ =	strace $0xD0000000  }
0x3: {  	_ = 	snop  }
0x4: {  	_ = 	snop  }
0x5: {  	_ = 	snop  }
0x6: {  	_ = 	snop  }
0x7: {  	_ = 	snop  }
__scs_overlays_trampoline_lowered:
0x8: {  	[smem:$0x3FA4] =	sst s0  }
0x9: {  	[smem:$0x3FA5] =	sst s1  }
0xa: {  	[smem:$0x3FA6] =	sst s2  }
0xb: {  	[smem:$0x3FA7] =	sst s3  }
0xc: {  	[smem:$0x3FA8] =	sst s4  }
0xd: {  	[smem:$0x3FA9] =	sst s5  }
0xe: {  	[smem:$0x3FAA] =	sst s6  }
0xf: {  	[smem:$0x3FAB] =	sst s7  }
0x10: {  	[smem:$0x3FAC] =	sst s8  }
0x11: {  	[smem:$0x3FAD] =	sst s9;
	s0 =	simm.s32 @!p0 $0x0  }
0x12: {  	s1 =	sld [smem:$0x3F93];
	s0 =	simm.s32 @p0 $0x1  }
0x13: {  	[smem:$0x3FAE] =	sst s0;
	s0 =	simm.s32 @!p1 $0x0  }
0x14: {  	s2 =	sld [smem:$0x3F92];
	s0 =	simm.s32 @p1 $0x1  }
0x15: {  	[smem:$0x3FAF] =	sst s0;
	s0 =	simm.s32 @!p2 $0x0  }
0x16: {  	s3 =	sld [smem:$0x3FDB];
	s0 =	simm.s32 @p2 $0x1  }
0x17: {  	s4 =	simm.s32 $0x1BF5;
	[smem:$0x3FB1] =	sst s0  }
0x18: {  	s0 =	sld [smem:$0x3F94];
	_ =	swait.ge [sflag:s4], $0x0  }
0x19: {  	s7 =	sld [smem:$0x3F95]  }
0x1a: {  	s8 =	sadd.s32 $0xFFFFE003, lr  }
0x1b: {  	s9 =	sadd.s32 $0xFFFFFEF7, lr;
	s5 =	simm.s32 $0xFFFFFFFF;
	p2 =	slt.u32 s8, $0xFFFFF086  }
0x1c: {  	p1 =	slt.u32 s9, $0xF7A;
	s5 =	simm.s32 @!p2 $0x0  }
0x1d: {  	s5 =	simm.s32 @p1 $0x1;
	p0 =	seq.s32 s7, s2  }
0x1e: {  	s7 =	smul.u32 @!p0 $0xF7A, s2;
	p2 =	seq.s32 @!p0 s5, $0x0  }
0x1f: {  	s9 =	smul.u32 $0xF7A, s1;
	s8 =	simm.s32 @!p0 $0x1BF5;
	p2 =	por !p2, p0  }
0x20: {  	[sflag:s8] =	ssyncset.s32 @!p0 $0xFFFFF086;
	s6 =	sadd.s32 @!p0 s3, s7;
	s7 =	simm.s32 @!p0 $0x108  }
0x21: {  	s3 =	sadd.s32 s3, s9;
	s6 =	sadd.s32 @!p0 $0x88, s6;
	s7 =	simm.s32 @p2 $0x1082  }
0x22: {  	[simem:s7], [sflag:s8] =	dma.local @!p0 [hbm:s6], $0xF7A  }
0x23: {  	s9 =	sor.u32 $0xD0000000, s2;
	s6 =	simm.s32 $0x108;
	_ =	swait.ge @!p0 [sflag:s8], $0x0  }
0x24: {  	s3 =	sadd.s32 $0x88, s3;
	s6 =	simm.s32 @!p1 $0x1082;
	[sflag:s4] =	ssyncset.s32 $0xFFFFF086  }
0x25: {  	[simem:s6], [sflag:s4] =	dma.local [hbm:s3], $0xF7A  }
0x26: {  	[smem:$0x3F95] =	sst s1;
	(tag) =	ssettag s2;
	_ =	strace s9  }
0x27: {  	s1 =	sld [smem:$0x3FA5]  }
0x28: {  	s2 =	sld [smem:$0x3FA6]  }
0x29: {  	s4 =	sld [smem:$0x3FA8]  }
0x2a: {  	p0 =	seq.s32 s5, $0x0;
	s5 =	sld [smem:$0x3FA9]  }
0x2b: {  	s6 =	sld [smem:$0x3FAA]  }
0x2c: {  	s7 =	sld [smem:$0x3FAB]  }
0x2d: {  	s3 =	simm.s32 $0x108;
	s8 =	sld [smem:$0x3FAC]  }
0x2e: {  	s3 =	simm.s32 @!p0 $0x1082;
	s9 =	sld [smem:$0x3FAD]  }
0x2f: {  	lr =	sadd.s32 s0, s3;
	s0 =	sld [smem:$0x3FA4]  }
0x30: {  	s3 =	sld [smem:$0x3FA7]  }
0x31: {  	[smem:$0x3FB0] =	sst s10  }
0x32: {  	s10 =	sld [smem:$0x3FAE];
	_ =	sdelay $0x3  }
0x33: {  	p0 =	seq.s32 s10, $0x1;
	s10 =	sld [smem:$0x3FB0];
	_ =	sdelay $0x3  }
0x34: {  	[smem:$0x3FB0] =	sst s10  }
0x35: {  	s10 =	sld [smem:$0x3FAF];
	_ =	sdelay $0x3  }
0x36: {  	p1 =	seq.s32 s10, $0x1;
	s10 =	sld [smem:$0x3FB0];
	_ =	sdelay $0x3  }
0x37: {  	[smem:$0x3FB0] =	sst s10  }
0x38: {  	s10 =	sld [smem:$0x3FB1]  }
0x39: {  	_ = 	snop;
	(pc) =	sbr.ind lr, $3  }
0x3a: {  	_ = 	snop  }
0x3b: {  	_ = 	snop  }
0x3c: {  	p2 =	seq.s32 s10, $0x1;
	s10 =	sld [smem:$0x3FB0]  }
0x3d: {  	_ =	shalt  }
0x3e: {  	_ =	shalt  }
0x3f: {  	_ =	shalt  }
0x40: {  	_ =	shalt  }
0x41: {  	_ =	shalt  }
0x42: {  	_ =	shalt  }
0x43: {  	_ =	shalt  }
0x44: {  	_ =	shalt  }
0x45: {  	_ =	shalt  }
0x46: {  	_ =	shalt  }
0x47: {  	_ =	shalt  }
0x48: {  	_ =	shalt  }
0x49: {  	_ =	shalt  }
0x4a: {  	_ =	shalt  }
0x4b: {  	_ =	shalt  }
0x4c: {  	_ =	shalt  }
0x4d: {  	_ =	shalt  }
0x4e: {  	_ =	shalt  }
0x4f: {  	_ =	shalt  }
0x50: {  	_ =	shalt  }
0x51: {  	_ =	shalt  }
0x52: {  	_ =	shalt  }
0x53: {  	_ =	shalt  }
0x54: {  	_ =	shalt  }
0x55: {  	_ =	shalt  }
0x56: {  	_ =	shalt  }
0x57: {  	_ =	shalt  }
0x58: {  	_ =	shalt  }
0x59: {  	_ =	shalt  }
0x5a: {  	_ =	shalt  }
0x5b: {  	_ =	shalt  }
0x5c: {  	_ =	shalt  }
0x5d: {  	_ =	shalt  }
0x5e: {  	_ =	shalt  }
0x5f: {  	_ =	shalt  }
0x60: {  	_ =	shalt  }
0x61: {  	_ =	shalt  }
0x62: {  	_ =	shalt  }
0x63: {  	_ =	shalt  }
0x64: {  	_ =	shalt  }
0x65: {  	_ =	shalt  }
0x66: {  	_ =	shalt  }
0x67: {  	_ =	shalt  }
0x68: {  	_ =	shalt  }
0x69: {  	_ =	shalt  }
0x6a: {  	_ =	shalt  }
0x6b: {  	_ =	shalt  }
0x6c: {  	_ =	shalt  }
0x6d: {  	_ =	shalt  }
0x6e: {  	_ =	shalt  }
0x6f: {  	_ =	shalt  }
0x70: {  	_ =	shalt  }
0x71: {  	_ =	shalt  }
0x72: {  	_ =	shalt  }
0x73: {  	_ =	shalt  }
0x74: {  	_ =	shalt  }
0x75: {  	_ =	shalt  }
0x76: {  	_ =	shalt  }
0x77: {  	_ =	shalt  }
0x78: {  	_ =	shalt  }
0x79: {  	_ =	shalt  }
0x7a: {  	_ =	shalt  }
0x7b: {  	_ =	shalt  }
0x7c: {  	_ =	shalt  }
0x7d: {  	_ =	shalt  }
0x7e: {  	_ =	shalt  }
0x7f: {  	_ =	shalt  }
0x80: {  	_ =	shalt  }
0x81: {  	_ =	shalt  }
0x82: {  	_ =	shalt  }
0x83: {  	_ =	shalt  }
0x84: {  	_ =	shalt  }
0x85: {  	_ =	shalt  }
0x86: {  	_ =	shalt  }
0x87: {  	_ =	shalt  }
.Lfunc_end0:
.L_simem_size_0:
called_computation.1_lowered:
.L_overlay_start_0:
0x88: {  	s2 =	sld [smem:$0x3FD9]  }
0x89: {  	s3 =	sld [smem:$0x3FFE];
	_ =	sdelay $0x1  }
0x8a: {  	s1 =	srdreg.scid  }
0x8b: {  	s0 =	sand.u32 $0x1, s1  }
0x8c: {  	s16 =	sshll.u32 s0, $0xA;
	s2 =	sadd.s32 s3, s2  }
0x8d: {  	s2 =	sadd.s32 s2, s16  }
0x8e: {  	[smem:$0x3FBC] =	sst s2  }
0x8f: {  	_ = 	snop  }
0x90: {  	(tm) =	ssettm $0x1  }
0x91: {  	s17 =	sld [smem:$0x3FFB];
	_ =	sdelay $0x3  }
0x92: {  	_ =	strace s17  }
0x93: {  	s2 =	sld [smem:$0x3FFC];
	_ =	sdelay $0x3  }
0x94: {  	_ =	strace s2  }
0x95: {  	s2 =	sld [smem:$0x3FFD];
	_ =	sdelay $0x3  }
0x96: {  	_ =	strace s2  }
0x97: {  	_ =	strace $0x8FFFFFFF  }
0x98: {  	s18 =	sld [smem:$0x3FDB];
	_ =	sdelay $0x1  }
0x99: {  	s19 =	simm.s32 $_scs_section_size  }
0x9a: {  	s4 =	simm.s32 $_size__tile_overlayer_lowered;
	s5 =	simm.s32 $_tile_overlayer_lowered  }
0x9b: {  	s22 =	simm.s32 $0x1BFF;
	s21 =	sshll.u32 s5, $0x1;
	s2 =	sadd.s32 s19, s18  }
0x9c: {  	s6 =	simm.s32 $0x0;
	s20 =	sshll.u32 s4, $0x1;
	s4 =	sadd.s32 s21, s2  }
0x9d: {  	[timem:s6], [sflag:s22] =	dma.local [hbm:s4], s20  }
0x9e: {  	_ =	swait.ge [sflag:s22], s20  }
0x9f: {  	s3 =	ssub.s32 $0x0, s20;
	[sflag:s22] =	ssyncset.done $0x0  }
0xa0: {  	[sflag:s22] =	ssyncadd.s32 s3;
	_ =	sdelay $0x1  }
0xa1: {  	s23 =	simm.s32 $0x1B8B  }
0xa2: {  	_ =	swait.ge [sflag:s23], $0x1  }
0xa3: {  	[sflag:s23] =	ssyncset.done $0x0  }
0xa4: {  	s25 =	simm.s32 $0x1B8E;
	s24 =	sld [smem:$0x3FFE];
	[sflag:s23] =	ssyncadd.s32 $0xFFFFFFFF  }
0xa5: {  	s26 =	simm.s32 $execute0_lowered;
	[smem:$0x3FD2] =	sst s25  }
0xa6: {  	s4 =	sshll.u32 s26, $0x1;
	_ =	strace $0x80000049;
	[dreg:$0x1] =	wrdreg $0xFFFFFFFF  }
0xa7: {  	s28 =	simm.s32 $_size_execute0_lowered;
	s2 =	sadd.s32 s2, s4;
	[dreg:$0x0] =	wrdreg $0x0  }
0xa8: {  	s4 =	sshll.u32 s28, $0x1;
	[dreg:$0x2] =	wrdreg s2  }
0xa9: {  	[dreg:$0x3] =	wrdreg s4  }
0xaa: {  	[dreg:$0x4] =	wrdreg $0xC0  }
0xab: {  	_ =	task [dreg:s6], $0x5FFFF  }
0xac: {  	[dreg:$0x1] =	wrdreg $0xFFFFFFFF  }
0xad: {  	[dreg:$0x0] =	wrdreg $0x60  }
0xae: {  	[dreg:$0x2] =	wrdreg s24  }
0xaf: {  	[dreg:$0x3] =	wrdreg $0x82000  }
0xb0: {  	[dreg:$0x4] =	wrdreg $0x9  }
0xb1: {  	_ =	task.clear_ibuf [dreg:s6], $0x5FFFF;
	_ =	strace $0x90000049  }
0xb2: {  	s29 =	simm.s32 $0x9;
	_ =	strace $0x8000004B  }
0xb3: {  	_ =	swait.ge [sflag:s29], $0x1  }
0xb4: {  	[sflag:s29] =	ssyncadd.s32 $0xFFFFFFFF  }
0xb5: {  	_ =	strace $0x9000004B  }
0xb6: {  	_ =	sfence  }
0xb7: {  	s30 =	sld [smem:$0x0];
	_ =	sdelay $0x2  }
0xb8: {  	s31 =	sshll.u32 s1, $0xD;
	s1 =	sshrl.u32 s1, $0x2  }
0xb9: {  	s3 =	sand.u32 $0x4000, s31;
	s1 =	sadd.s32 s1, s30  }
0xba: {  	s0 =	sor.u32 s3, s0;
	s1 =	sshll.u32 s1, $0x11  }
0xbb: {  	s0 =	sor.u32 s1, s0  }
0xbc: {  	s0 =	sadd.s32 $0x8F2B, s0  }
0xbd: {  	[sflag:s0] =	ssyncadd.remote.s32 $0x1  }
0xbe: {  	_ =	sfence.sel $0xFFFF  }
0xbf: {  	[dreg:$0x0] =	wrdreg $0xFFFFFFFF;
	(pc) =	sbr.abs _section_cstart, $3  }
0xc0: {  	[dreg:$0x1] =	wrdreg $0xFFFFFFFF  }
0xc1: {  	_ =	task.clear_ibuf [dreg:s6], $0x2FFFF;
	_ =	strace $0x9FFFFFFF  }
0xc2: {  	(tm) =	ssettm $0x7FFFFFFF  }
0xc3: {  	_ =	shalt  }
tec
execute0_lowered:
.L_overlay_start_1:
0x0: {  	(tag) =	ssettag $0x1  }
0x1: {  	s5 =	rddreg [dreg:$0x0]  }
0x2: {  	s2 =	rddreg [dreg:$0x1]  }
0x3: {  	s0 =	rddreg [dreg:$0x2]  }
0x4: {  	s3 =	simm.s32 $0x0;
	s1 =	stileid.u32;
	s4 =	srdreg.scid  }
0x5: {  	s17 =	simm.s32 $0x4;
	s18 =	simm.s32 $0x80;
	s19 =	simm.s32 $0x200  }
0x6: {  	s20 =	simm.s32 $0x100;
	s21 =	simm.s32 $0x180;
	s22 =	simm.s32 $0x4200  }
0x7: {  	s23 =	simm.s32 $0x1;
	s24 =	simm.s32 $0x3;
	[smem:$0x7FF] =	sst s3  }
0x8: {  	s6 =	smul.u32 $0x2780, s1;
	s7 =	sand.u32 $0x1, s4;
	s4 =	sadd.s32 $0x2AA00, s5  }
0x9: {  	s10 =	sadd.s32 $0x20A00, s5;
	s11 =	sadd.s32 $0xCC00, s5;
	s9 =	smul.u32 $0x4F000, s1  }
0xa: {  	s25 =	smul.u32 $0x28, s1;
	s29 =	sshll.u32 s1, $0x6;
	_ =	strace $0x8000004A  }
0xb: {  	s8 =	smul.u32 $0x27800, s7;
	s26 =	ssub.s32 $0x2, s7;
	p0 =	seq.s32 s7, $0x0  }
0xc: {  	s12 =	sadd.s32 s6, s5;
	s14 =	sshrl.u32 s26, $0x1;
	s7 =	sadd.s32 $0x780, s25  }
0xd: {  	s28 =	sshrl.u32 s9, $0x2;
	s9 =	simm.s32 $0x3B;
	s6 =	sadd.s32 s6, s8  }
0xe: {  	s25 =	simm.s32 $0x2;
	s13 =	sadd.s32 s6, s5;
	s6 =	smul.u32 $0x78, s1  }
0xf: {  	s14 =	ssub.s32 s26, s14;
	s16 =	sadd.s32 s28, s2;
	s9 =	simm.s32 @!p0 $0x13  }
0x10: {  	s26 =	simm.s32 $0x0;
	s5 =	sadd.s32 $0x52200, s12;
	s7 =	smov.u32 @p0 s6  }
0x11: {  	s16 =	sshrl.u32 s16, $0x3;
	s12 =	sadd.s32 $0x79A00, s13;
	s30 =	sshll.u32 s7, $0x4  }
0x12: {  	s13 =	smax.u32 s14, $0x1;
	s6 =	sor.u32 $0x1C04, s29;
	s31 =	sor.u32 $0x10, s30  }
0x13: {  	s7 =	sadd.s32 s10, s30;
	s8 =	sadd.s32 s11, s30;
	s10 =	sadd.s32 s10, s31  }
0x14: {  	s11 =	sadd.s32 s11, s31;
	s14 =	sadd.s32 $0x30, s8;
	s15 =	sadd.s32 $0x30, s7  }
.LBB2_1:
0x15: {  	[spmem:s16], [sflag:s6] =	dma.local [hbm:s5], $0x2780  }
0x16: {  	_ =	swait.ge [sflag:s17], $0x2780  }
0x17: {  	[sflag:s17] =	ssyncset.done $0x0  }
0x18: {  	[sflag:s17] =	ssyncadd.s32 $0xFFFFD880  }
0x19: {  	[bflag:$0x0] =	sbarrier.arrive $0xFFFF  }
0x1a: {  	[tilespmem:s3], [sflag:$0x4] =	stream.linear.gather [hbm4b:s7+s3], $0x80, $0x38;
	[tilespmem:$0x1BE00] =	vst v63  }
0x1b: {  	_ =	swait.ge [sflag:s17], $0x80  }
0x1c: {  	[sflag:s17] =	ssyncset.done $0x0  }
0x1d: {  	[sflag:s17] =	ssyncadd.s32 $0xFFFFFF80  }
0x1e: {  	[tilespmem:s18], [sflag:$0x4] =	stream.linear.gather [hbm4b:s8+s3], $0x80, $0x38;
	[tilespmem:$0x1BE00] =	vst v63  }
0x1f: {  	_ =	swait.ge [sflag:s17], $0x80  }
0x20: {  	[sflag:s17] =	ssyncset.done $0x0  }
0x21: {  	[sflag:s17] =	ssyncadd.s32 $0xFFFFFF80  }
0x22: {  	[tilespmem:s19], [sflag:$0x1] =	stream.indirect.gather [hbm4b:s4+s18], $0x80, s3, s18, $0xb8;
	[tilespmem:$0x1BE00] =	vst v63  }
0x23: {  	_ = 	snop  }
0x24: {  	[tilespmem:s20], [sflag:$0x4] =	stream.linear.gather [hbm4b:s10+s3], $0x80, $0x38;
	[tilespmem:$0x1BE00] =	vst v63  }
0x25: {  	_ =	swait.ge [sflag:s17], $0x80  }
0x26: {  	[sflag:s17] =	ssyncset.done $0x0  }
0x27: {  	[sflag:s17] =	ssyncadd.s32 $0xFFFFFF80  }
0x28: {  	[tilespmem:s21], [sflag:$0x4] =	stream.linear.gather [hbm4b:s11+s3], $0x80, $0x38;
	[tilespmem:$0x1BE00] =	vst v63  }
0x29: {  	_ =	swait.ge [sflag:s17], $0x80  }
0x2a: {  	[sflag:s17] =	ssyncset.done $0x0  }
0x2b: {  	[sflag:s17] =	ssyncadd.s32 $0xFFFFFF80  }
0x2c: {  	[tilespmem:s22], [sflag:$0x2] =	stream.indirect.gather [hbm4b:s4+s18], $0x80, s20, s18, $0xb8;
	[tilespmem:$0x1BE00] =	vst v63  }
0x2d: {  	_ =	swait.ge [sflag:s23], $0x4000  }
0x2e: {  	[sflag:s23] =	ssyncset.done $0x0  }
0x2f: {  	[sflag:s23] =	ssyncadd.s32 $0xFFFFC000  }
0x30: {  	[spmem:s2] =	stream.indirect.scatter.add.f32 [tilespmem:s19], [sflag:$0x3], $0x80, s18, s18, $0xb8;
	[tilespmem:$0x1BE00] =	vst v63  }
0x31: {  	_ =	swait.ge [sflag:s24], $0x4000  }
0x32: {  	[sflag:s24] =	ssyncset.done $0x0  }
0x33: {  	s28 =	sadd.s32 $0xFFFFFFF0, s15;
	[sflag:s24] =	ssyncadd.s32 $0xFFFFC000  }
0x34: {  	[tilespmem:s3], [sflag:$0x4] =	stream.linear.gather [hbm4b:s28+s3], $0x80, $0x38;
	[tilespmem:$0x1BE00] =	vst v63  }
0x35: {  	_ =	swait.ge [sflag:s17], $0x80  }
0x36: {  	[sflag:s17] =	ssyncset.done $0x0  }
0x37: {  	s28 =	sadd.s32 $0xFFFFFFF0, s14;
	[sflag:s17] =	ssyncadd.s32 $0xFFFFFF80  }
0x38: {  	[tilespmem:s18], [sflag:$0x4] =	stream.linear.gather [hbm4b:s28+s3], $0x80, $0x38;
	[tilespmem:$0x1BE00] =	vst v63  }
0x39: {  	_ =	swait.ge [sflag:s17], $0x80  }
0x3a: {  	[sflag:s17] =	ssyncset.done $0x0  }
0x3b: {  	[sflag:s17] =	ssyncadd.s32 $0xFFFFFF80  }
0x3c: {  	[tilespmem:s19], [sflag:$0x1] =	stream.indirect.gather [hbm4b:s4+s18], $0x80, s3, s18, $0xb8;
	[tilespmem:$0x1BE00] =	vst v63  }
0x3d: {  	_ =	swait.ge [sflag:s25], $0x4000  }
0x3e: {  	[sflag:s25] =	ssyncset.done $0x0  }
0x3f: {  	[sflag:s25] =	ssyncadd.s32 $0xFFFFC000  }
0x40: {  	[spmem:s2] =	stream.indirect.scatter.add.f32 [tilespmem:s22], [sflag:$0x3], $0x80, s21, s18, $0xb8;
	[tilespmem:$0x1BE00] =	vst v63  }
0x41: {  	_ =	swait.ge [sflag:s24], $0x4000  }
0x42: {  	[sflag:s24] =	ssyncset.done $0x0  }
0x43: {  	[sflag:s24] =	ssyncadd.s32 $0xFFFFC000  }
0x44: {  	[tilespmem:s20], [sflag:$0x4] =	stream.linear.gather [hbm4b:s15+s3], $0x80, $0x38;
	[tilespmem:$0x1BE00] =	vst v63  }
0x45: {  	_ =	swait.ge [sflag:s17], $0x80  }
0x46: {  	[sflag:s17] =	ssyncset.done $0x0  }
0x47: {  	[sflag:s17] =	ssyncadd.s32 $0xFFFFFF80  }
0x48: {  	[tilespmem:s21], [sflag:$0x4] =	stream.linear.gather [hbm4b:s14+s3], $0x80, $0x38;
	[tilespmem:$0x1BE00] =	vst v63  }
0x49: {  	_ =	swait.ge [sflag:s17], $0x80  }
0x4a: {  	p0 =	sne.s32 s9, $0x1;
	[sflag:s17] =	ssyncset.done $0x0  }
.Ltmp0:
0x4b: {  	[sflag:s17] =	ssyncadd.s32 $0xFFFFFF80;
	(pc) =	sbr.rel @!p0 .LBB2_3-.Ltmp0, $4  }
0x4c: {  	[tilespmem:s22], [sflag:$0x2] =	stream.indirect.gather [hbm4b:s4+s18], $0x80, s20, s18, $0xb8;
	[tilespmem:$0x1BE00] =	vst v63  }
0x4d: {  	_ =	swait.ge [sflag:s23], $0x4000  }
0x4e: {  	s29 =	sadd.s32 $0x20, s14;
	[sflag:s23] =	ssyncset.done $0x0  }
0x4f: {  	s30 =	sadd.s32 $0x20, s15;
	s28 =	sadd.s32 $0xFFFFFFFF, s9;
	[sflag:s23] =	ssyncadd.s32 $0xFFFFC000  }
.LBB2_2:
0x50: {  	[spmem:s2] =	stream.indirect.scatter.add.f32 [tilespmem:s19], [sflag:$0x3], $0x80, s18, s18, $0xb8;
	[tilespmem:$0x1BE00] =	vst v63  }
0x51: {  	p0 =	sne.s32 s28, $0x1;
	s28 =	sadd.s32 $0xFFFFFFFF, s28;
	_ =	swait.ge [sflag:s24], $0x4000  }
0x52: {  	[sflag:s24] =	ssyncset.done $0x0  }
0x53: {  	s31 =	sadd.s32 $0xFFFFFFF0, s30;
	[sflag:s24] =	ssyncadd.s32 $0xFFFFC000  }
0x54: {  	[tilespmem:s3], [sflag:$0x4] =	stream.linear.gather [hbm4b:s31+s3], $0x80, $0x38;
	[tilespmem:$0x1BE00] =	vst v63  }
0x55: {  	_ =	swait.ge [sflag:s17], $0x80  }
0x56: {  	[sflag:s17] =	ssyncset.done $0x0  }
0x57: {  	s31 =	sadd.s32 $0xFFFFFFF0, s29;
	[sflag:s17] =	ssyncadd.s32 $0xFFFFFF80  }
0x58: {  	[tilespmem:s18], [sflag:$0x4] =	stream.linear.gather [hbm4b:s31+s3], $0x80, $0x38;
	[tilespmem:$0x1BE00] =	vst v63  }
0x59: {  	_ =	swait.ge [sflag:s17], $0x80  }
0x5a: {  	[sflag:s17] =	ssyncset.done $0x0  }
0x5b: {  	[sflag:s17] =	ssyncadd.s32 $0xFFFFFF80  }
0x5c: {  	[tilespmem:s19], [sflag:$0x1] =	stream.indirect.gather [hbm4b:s4+s18], $0x80, s3, s18, $0xb8;
	[tilespmem:$0x1BE00] =	vst v63  }
0x5d: {  	_ =	swait.ge [sflag:s25], $0x4000  }
0x5e: {  	[sflag:s25] =	ssyncset.done $0x0  }
0x5f: {  	[sflag:s25] =	ssyncadd.s32 $0xFFFFC000  }
0x60: {  	[spmem:s2] =	stream.indirect.scatter.add.f32 [tilespmem:s22], [sflag:$0x3], $0x80, s21, s18, $0xb8;
	[tilespmem:$0x1BE00] =	vst v63  }
0x61: {  	_ =	swait.ge [sflag:s24], $0x4000  }
0x62: {  	[sflag:s24] =	ssyncset.done $0x0  }
0x63: {  	[sflag:s24] =	ssyncadd.s32 $0xFFFFC000  }
0x64: {  	[tilespmem:s20], [sflag:$0x4] =	stream.linear.gather [hbm4b:s30+s3], $0x80, $0x38;
	[tilespmem:$0x1BE00] =	vst v63  }
0x65: {  	_ =	swait.ge [sflag:s17], $0x80  }
0x66: {  	[sflag:s17] =	ssyncset.done $0x0  }
0x67: {  	[sflag:s17] =	ssyncadd.s32 $0xFFFFFF80  }
0x68: {  	[tilespmem:s21], [sflag:$0x4] =	stream.linear.gather [hbm4b:s29+s3], $0x80, $0x38;
	[tilespmem:$0x1BE00] =	vst v63  }
0x69: {  	_ =	swait.ge [sflag:s17], $0x80  }
0x6a: {  	[sflag:s17] =	ssyncset.done $0x0  }
.Ltmp1:
0x6b: {  	[sflag:s17] =	ssyncadd.s32 $0xFFFFFF80;
	(pc) =	sbr.rel @p0 .LBB2_2-.Ltmp1, $4  }
0x6c: {  	[tilespmem:s22], [sflag:$0x2] =	stream.indirect.gather [hbm4b:s4+s18], $0x80, s20, s18, $0xb8;
	[tilespmem:$0x1BE00] =	vst v63  }
0x6d: {  	_ =	swait.ge [sflag:s23], $0x4000  }
0x6e: {  	[sflag:s23] =	ssyncset.done $0x0  }
0x6f: {  	s30 =	sadd.s32 $0x20, s30;
	s29 =	sadd.s32 $0x20, s29;
	[sflag:s23] =	ssyncadd.s32 $0xFFFFC000  }
.LBB2_3:
0x70: {  	[spmem:s2] =	stream.indirect.scatter.add.f32 [tilespmem:s19], [sflag:$0x3], $0x80, s18, s18, $0xb8;
	[tilespmem:$0x1BE00] =	vst v63  }
0x71: {  	_ =	swait.ge [sflag:s24], $0x4000  }
0x72: {  	[sflag:s24] =	ssyncset.done $0x0  }
0x73: {  	[sflag:s24] =	ssyncadd.s32 $0xFFFFC000  }
0x74: {  	_ =	swait.ge [sflag:s25], $0x4000  }
0x75: {  	[sflag:s25] =	ssyncset.done $0x0  }
0x76: {  	[sflag:s25] =	ssyncadd.s32 $0xFFFFC000  }
0x77: {  	[spmem:s2] =	stream.indirect.scatter.add.f32 [tilespmem:s22], [sflag:$0x3], $0x80, s21, s18, $0xb8;
	[tilespmem:$0x1BE00] =	vst v63  }
0x78: {  	_ =	swait.ge [sflag:s24], $0x4000  }
0x79: {  	s26 =	sadd.s32 $0x1, s26;
	[sflag:s24] =	ssyncset.done $0x0  }
0x7a: {  	p0 =	sne.s32 s26, s13;
	[sflag:s24] =	ssyncadd.s32 $0xFFFFC000  }
.Ltmp2:
0x7b: {  	[bflag:$0x0] =	sbarrier.arrive $0xFFFF;
	(pc) =	sbr.rel @p0 .LBB2_1-.Ltmp2, $4  }
0x7c: {  	[hbm:s12], [sflag:s6] =	dma.local [spmem:s16], $0x2780  }
0x7d: {  	_ =	swait.ge [sflag:s17], $0x2780  }
0x7e: {  	[sflag:s17] =	ssyncset.done $0x0  }
0x7f: {  	[sflag:s17] =	ssyncadd.s32 $0xFFFFD880  }
0x80: {  	_ =	sfence.sel $0x180000  }
0x81: {  	[bflag:$0x0] =	sbarrier.arrive $0xFFFF  }
0x82: {  	p0 =	sne.s32 s1, $0x0;
	_ =	strace $0x9000004A  }
0x83: {  	s0 =	sadd.s32 @!p0 $0x100000, s0;
	[bflag:$0x2] =	sbarrier.arrive $0xFFFF  }
0x84: {  	[sflag:s0] =	ssyncadd.tile.s32 @!p0 $0x1;
	_ =	shalt  }
.Lfunc_end2:
_tile_overlayer_lowered:
.L_overlay_start_2:
0x85: {  	(tag) =	ssettag $0x2  }
0x86: {  	s0 =	rddreg [dreg:$0x0];
	s2 =	stileid.u32  }
0x87: {  	s1 =	rddreg [dreg:$0x1];
	p0 =	sne.s32 s2, $0x0  }
0x88: {  	s3 =	rddreg [dreg:$0x2];
	[bflag:$0x3] =	sbarrier.arrive $0xFFFF;
	s2 =	simm.s32 @!p0 $0x1C04  }
0x89: {  	[timem:s3], [sflag:s2] =	dma.local @!p0 [hbm:s0], s1  }
0x8a: {  	s0 =	simm.s32 @!p0 $0x4  }
0x8b: {  	_ =	swait.ge @!p0 [sflag:s0], s1  }
0x8c: {  	s1 =	ssub.s32 @!p0 $0x0, s1;
	[sflag:s0] =	ssyncset.done @!p0 $0x0  }
0x8d: {  	[sflag:s0] =	ssyncadd.s32 @!p0 s1  }
0x8e: {  	[bflag:$0x3] =	sbarrier.arrive $0xFFFF  }
0x8f: {  	_ =	shalt  }

// kernel: kernel.14.cloned.1.call-start
scs
__scs_entry_jumppad:
0x0: {  	(pc) =	sbr.rel $0x88, $3  }
0x1: {  	(tag) =	ssettag $0x0;
	lr =	simm.s32 $0x1  }
0x2: {  	[smem:$0x3F95] =	sst lr;
	_ =	strace $0xD0000000  }
0x3: {  	_ = 	snop  }
0x4: {  	_ = 	snop  }
0x5: {  	_ = 	snop  }
0x6: {  	_ = 	snop  }
0x7: {  	_ = 	snop  }
__scs_overlays_trampoline_lowered:
0x8: {  	[smem:$0x3FA4] =	sst s0  }
0x9: {  	[smem:$0x3FA5] =	sst s1  }
0xa: {  	[smem:$0x3FA6] =	sst s2  }
0xb: {  	[smem:$0x3FA7] =	sst s3  }
0xc: {  	[smem:$0x3FA8] =	sst s4  }
0xd: {  	[smem:$0x3FA9] =	sst s5  }
0xe: {  	[smem:$0x3FAA] =	sst s6  }
0xf: {  	[smem:$0x3FAB] =	sst s7  }
0x10: {  	[smem:$0x3FAC] =	sst s8  }
0x11: {  	[smem:$0x3FAD] =	sst s9;
	s0 =	simm.s32 @!p0 $0x0  }
0x12: {  	s1 =	sld [smem:$0x3F93];
	s0 =	simm.s32 @p0 $0x1  }
0x13: {  	[smem:$0x3FAE] =	sst s0;
	s0 =	simm.s32 @!p1 $0x0  }
0x14: {  	s2 =	sld [smem:$0x3F92];
	s0 =	simm.s32 @p1 $0x1  }
0x15: {  	[smem:$0x3FAF] =	sst s0;
	s0 =	simm.s32 @!p2 $0x0  }
0x16: {  	s3 =	sld [smem:$0x3FDB];
	s0 =	simm.s32 @p2 $0x1  }
0x17: {  	s4 =	simm.s32 $0x1BF5;
	[smem:$0x3FB1] =	sst s0  }
0x18: {  	s0 =	sld [smem:$0x3F94];
	_ =	swait.ge [sflag:s4], $0x0  }
0x19: {  	s7 =	sld [smem:$0x3F95]  }
0x1a: {  	s8 =	sadd.s32 $0xFFFFE003, lr  }
0x1b: {  	s9 =	sadd.s32 $0xFFFFFEF7, lr;
	s5 =	simm.s32 $0xFFFFFFFF;
	p2 =	slt.u32 s8, $0xFFFFF086  }
0x1c: {  	p1 =	slt.u32 s9, $0xF7A;
	s5 =	simm.s32 @!p2 $0x0  }
0x1d: {  	s5 =	simm.s32 @p1 $0x1;
	p0 =	seq.s32 s7, s2  }
0x1e: {  	s7 =	smul.u32 @!p0 $0xF7A, s2;
	p2 =	seq.s32 @!p0 s5, $0x0  }
0x1f: {  	s9 =	smul.u32 $0xF7A, s1;
	s8 =	simm.s32 @!p0 $0x1BF5;
	p2 =	por !p2, p0  }
0x20: {  	[sflag:s8] =	ssyncset.s32 @!p0 $0xFFFFF086;
	s6 =	sadd.s32 @!p0 s3, s7;
	s7 =	simm.s32 @!p0 $0x108  }
0x21: {  	s3 =	sadd.s32 s3, s9;
	s6 =	sadd.s32 @!p0 $0x88, s6;
	s7 =	simm.s32 @p2 $0x1082  }
0x22: {  	[simem:s7], [sflag:s8] =	dma.local @!p0 [hbm:s6], $0xF7A  }
0x23: {  	s9 =	sor.u32 $0xD0000000, s2;
	s6 =	simm.s32 $0x108;
	_ =	swait.ge @!p0 [sflag:s8], $0x0  }
0x24: {  	s3 =	sadd.s32 $0x88, s3;
	s6 =	simm.s32 @!p1 $0x1082;
	[sflag:s4] =	ssyncset.s32 $0xFFFFF086  }
0x25: {  	[simem:s6], [sflag:s4] =	dma.local [hbm:s3], $0xF7A  }
0x26: {  	[smem:$0x3F95] =	sst s1;
	(tag) =	ssettag s2;
	_ =	strace s9  }
0x27: {  	s1 =	sld [smem:$0x3FA5]  }
0x28: {  	s2 =	sld [smem:$0x3FA6]  }
0x29: {  	s4 =	sld [smem:$0x3FA8]  }
0x2a: {  	p0 =	seq.s32 s5, $0x0;
	s5 =	sld [smem:$0x3FA9]  }
0x2b: {  	s6 =	sld [smem:$0x3FAA]  }
0x2c: {  	s7 =	sld [smem:$0x3FAB]  }
0x2d: {  	s3 =	simm.s32 $0x108;
	s8 =	sld [smem:$0x3FAC]  }
0x2e: {  	s3 =	simm.s32 @!p0 $0x1082;
	s9 =	sld [smem:$0x3FAD]  }
0x2f: {  	lr =	sadd.s32 s0, s3;
	s0 =	sld [smem:$0x3FA4]  }
0x30: {  	s3 =	sld [smem:$0x3FA7]  }
0x31: {  	[smem:$0x3FB0] =	sst s10  }
0x32: {  	s10 =	sld [smem:$0x3FAE];
	_ =	sdelay $0x3  }
0x33: {  	p0 =	seq.s32 s10, $0x1;
	s10 =	sld [smem:$0x3FB0];
	_ =	sdelay $0x3  }
0x34: {  	[smem:$0x3FB0] =	sst s10  }
0x35: {  	s10 =	sld [smem:$0x3FAF];
	_ =	sdelay $0x3  }
0x36: {  	p1 =	seq.s32 s10, $0x1;
	s10 =	sld [smem:$0x3FB0];
	_ =	sdelay $0x3  }
0x37: {  	[smem:$0x3FB0] =	sst s10  }
0x38: {  	s10 =	sld [smem:$0x3FB1]  }
0x39: {  	_ = 	snop;
	(pc) =	sbr.ind lr, $3  }
0x3a: {  	_ = 	snop  }
0x3b: {  	_ = 	snop  }
0x3c: {  	p2 =	seq.s32 s10, $0x1;
	s10 =	sld [smem:$0x3FB0]  }
0x3d: {  	_ =	shalt  }
0x3e: {  	_ =	shalt  }
0x3f: {  	_ =	shalt  }
0x40: {  	_ =	shalt  }
0x41: {  	_ =	shalt  }
0x42: {  	_ =	shalt  }
0x43: {  	_ =	shalt  }
0x44: {  	_ =	shalt  }
0x45: {  	_ =	shalt  }
0x46: {  	_ =	shalt  }
0x47: {  	_ =	shalt  }
0x48: {  	_ =	shalt  }
0x49: {  	_ =	shalt  }
0x4a: {  	_ =	shalt  }
0x4b: {  	_ =	shalt  }
0x4c: {  	_ =	shalt  }
0x4d: {  	_ =	shalt  }
0x4e: {  	_ =	shalt  }
0x4f: {  	_ =	shalt  }
0x50: {  	_ =	shalt  }
0x51: {  	_ =	shalt  }
0x52: {  	_ =	shalt  }
0x53: {  	_ =	shalt  }
0x54: {  	_ =	shalt  }
0x55: {  	_ =	shalt  }
0x56: {  	_ =	shalt  }
0x57: {  	_ =	shalt  }
0x58: {  	_ =	shalt  }
0x59: {  	_ =	shalt  }
0x5a: {  	_ =	shalt  }
0x5b: {  	_ =	shalt  }
0x5c: {  	_ =	shalt  }
0x5d: {  	_ =	shalt  }
0x5e: {  	_ =	shalt  }
0x5f: {  	_ =	shalt  }
0x60: {  	_ =	shalt  }
0x61: {  	_ =	shalt  }
0x62: {  	_ =	shalt  }
0x63: {  	_ =	shalt  }
0x64: {  	_ =	shalt  }
0x65: {  	_ =	shalt  }
0x66: {  	_ =	shalt  }
0x67: {  	_ =	shalt  }
0x68: {  	_ =	shalt  }
0x69: {  	_ =	shalt  }
0x6a: {  	_ =	shalt  }
0x6b: {  	_ =	shalt  }
0x6c: {  	_ =	shalt  }
0x6d: {  	_ =	shalt  }
0x6e: {  	_ =	shalt  }
0x6f: {  	_ =	shalt  }
0x70: {  	_ =	shalt  }
0x71: {  	_ =	shalt  }
0x72: {  	_ =	shalt  }
0x73: {  	_ =	shalt  }
0x74: {  	_ =	shalt  }
0x75: {  	_ =	shalt  }
0x76: {  	_ =	shalt  }
0x77: {  	_ =	shalt  }
0x78: {  	_ =	shalt  }
0x79: {  	_ =	shalt  }
0x7a: {  	_ =	shalt  }
0x7b: {  	_ =	shalt  }
0x7c: {  	_ =	shalt  }
0x7d: {  	_ =	shalt  }
0x7e: {  	_ =	shalt  }
0x7f: {  	_ =	shalt  }
0x80: {  	_ =	shalt  }
0x81: {  	_ =	shalt  }
0x82: {  	_ =	shalt  }
0x83: {  	_ =	shalt  }
0x84: {  	_ =	shalt  }
0x85: {  	_ =	shalt  }
0x86: {  	_ =	shalt  }
0x87: {  	_ =	shalt  }
.Lfunc_end0:
.L_simem_size_0:
called_computation.2_lowered:
.L_overlay_start_0:
0x88: {  	s2 =	sld [smem:$0x3FD9]  }
0x89: {  	s3 =	sld [smem:$0x3FFE];
	_ =	sdelay $0x1  }
0x8a: {  	s1 =	srdreg.scid  }
0x8b: {  	s0 =	sand.u32 $0x1, s1  }
0x8c: {  	s16 =	sshll.u32 s0, $0xA;
	s2 =	sadd.s32 s3, s2  }
0x8d: {  	s2 =	sadd.s32 s2, s16  }
0x8e: {  	[smem:$0x3FBC] =	sst s2  }
0x8f: {  	_ = 	snop  }
0x90: {  	(tm) =	ssettm $0x1  }
0x91: {  	s17 =	sld [smem:$0x3FFB];
	_ =	sdelay $0x3  }
0x92: {  	_ =	strace s17  }
0x93: {  	s2 =	sld [smem:$0x3FFC];
	_ =	sdelay $0x3  }
0x94: {  	_ =	strace s2  }
0x95: {  	s2 =	sld [smem:$0x3FFD];
	_ =	sdelay $0x3  }
0x96: {  	_ =	strace s2  }
0x97: {  	_ =	strace $0x8FFFFFFF  }
0x98: {  	s18 =	sld [smem:$0x3FDB];
	_ =	sdelay $0x1  }
0x99: {  	s19 =	simm.s32 $_scs_section_size  }
0x9a: {  	s4 =	simm.s32 $_size__tile_overlayer_lowered;
	s5 =	simm.s32 $_tile_overlayer_lowered  }
0x9b: {  	s22 =	simm.s32 $0x1BFF;
	s21 =	sshll.u32 s5, $0x1;
	s2 =	sadd.s32 s19, s18  }
0x9c: {  	s6 =	simm.s32 $0x0;
	s20 =	sshll.u32 s4, $0x1;
	s4 =	sadd.s32 s21, s2  }
0x9d: {  	[timem:s6], [sflag:s22] =	dma.local [hbm:s4], s20  }
0x9e: {  	_ =	swait.ge [sflag:s22], s20  }
0x9f: {  	s3 =	ssub.s32 $0x0, s20;
	[sflag:s22] =	ssyncset.done $0x0  }
0xa0: {  	[sflag:s22] =	ssyncadd.s32 s3;
	_ =	sdelay $0x1  }
0xa1: {  	s23 =	simm.s32 $0x1B8B  }
0xa2: {  	_ =	swait.ge [sflag:s23], $0x1  }
0xa3: {  	[sflag:s23] =	ssyncset.done $0x0  }
0xa4: {  	s25 =	simm.s32 $0x1B8E;
	s24 =	sld [smem:$0x3FFE];
	[sflag:s23] =	ssyncadd.s32 $0xFFFFFFFF  }
0xa5: {  	s26 =	simm.s32 $execute0_lowered;
	[smem:$0x3FD2] =	sst s25  }
0xa6: {  	s4 =	sshll.u32 s26, $0x1;
	_ =	strace $0x8000004C;
	[dreg:$0x1] =	wrdreg $0xFFFFFFFF  }
0xa7: {  	s28 =	simm.s32 $_size_execute0_lowered;
	s2 =	sadd.s32 s2, s4;
	[dreg:$0x0] =	wrdreg $0x0  }
0xa8: {  	s4 =	sshll.u32 s28, $0x1;
	[dreg:$0x2] =	wrdreg s2  }
0xa9: {  	[dreg:$0x3] =	wrdreg s4  }
0xaa: {  	[dreg:$0x4] =	wrdreg $0xC0  }
0xab: {  	_ =	task [dreg:s6], $0x5FFFF  }
0xac: {  	[dreg:$0x1] =	wrdreg $0xFFFFFFFF  }
0xad: {  	[dreg:$0x0] =	wrdreg $0x60  }
0xae: {  	[dreg:$0x2] =	wrdreg s24  }
0xaf: {  	[dreg:$0x3] =	wrdreg $0x82000  }
0xb0: {  	[dreg:$0x4] =	wrdreg $0x9  }
0xb1: {  	_ =	task.clear_ibuf [dreg:s6], $0x5FFFF;
	_ =	strace $0x9000004C  }
0xb2: {  	s29 =	simm.s32 $0x9;
	_ =	strace $0x8000004E  }
0xb3: {  	_ =	swait.ge [sflag:s29], $0x1  }
0xb4: {  	[sflag:s29] =	ssyncadd.s32 $0xFFFFFFFF  }
0xb5: {  	_ =	strace $0x9000004E  }
0xb6: {  	_ =	sfence  }
0xb7: {  	s30 =	sld [smem:$0x0];
	_ =	sdelay $0x2  }
0xb8: {  	s31 =	sshll.u32 s1, $0xD;
	s1 =	sshrl.u32 s1, $0x2  }
0xb9: {  	s3 =	sand.u32 $0x4000, s31;
	s1 =	sadd.s32 s1, s30  }
0xba: {  	s0 =	sor.u32 s3, s0;
	s1 =	sshll.u32 s1, $0x11  }
0xbb: {  	s0 =	sor.u32 s1, s0  }
0xbc: {  	s0 =	sadd.s32 $0x8F2B, s0  }
0xbd: {  	[sflag:s0] =	ssyncadd.remote.s32 $0x1  }
0xbe: {  	_ =	sfence.sel $0xFFFF  }
0xbf: {  	[dreg:$0x0] =	wrdreg $0xFFFFFFFF;
	(pc) =	sbr.abs _section_cstart, $3  }
0xc0: {  	[dreg:$0x1] =	wrdreg $0xFFFFFFFF  }
0xc1: {  	_ =	task.clear_ibuf [dreg:s6], $0x2FFFF;
	_ =	strace $0x9FFFFFFF  }
0xc2: {  	(tm) =	ssettm $0x7FFFFFFF  }
0xc3: {  	_ =	shalt  }
tec
execute0_lowered:
.L_overlay_start_1:
0x0: {  	(tag) =	ssettag $0x1  }
0x1: {  	s5 =	rddreg [dreg:$0x0]  }
0x2: {  	s2 =	rddreg [dreg:$0x1]  }
0x3: {  	s0 =	rddreg [dreg:$0x2]  }
0x4: {  	s3 =	simm.s32 $0x0;
	s1 =	stileid.u32;
	s4 =	srdreg.scid  }
0x5: {  	s17 =	simm.s32 $0x4;
	s18 =	simm.s32 $0x80;
	s19 =	simm.s32 $0x200  }
0x6: {  	s20 =	simm.s32 $0x100;
	s21 =	simm.s32 $0x180;
	s22 =	simm.s32 $0x4200  }
0x7: {  	s23 =	simm.s32 $0x1;
	s24 =	simm.s32 $0x3;
	[smem:$0x7FF] =	sst s3  }
0x8: {  	s6 =	smul.u32 $0x2780, s1;
	s7 =	sand.u32 $0x1, s4;
	s4 =	sadd.s32 $0x2AA00, s5  }
0x9: {  	s10 =	sadd.s32 $0x20A00, s5;
	s11 =	sadd.s32 $0xCC00, s5;
	s9 =	smul.u32 $0x4F000, s1  }
0xa: {  	s25 =	smul.u32 $0x28, s1;
	s29 =	sshll.u32 s1, $0x6;
	_ =	strace $0x8000004D  }
0xb: {  	s8 =	smul.u32 $0x27800, s7;
	s26 =	ssub.s32 $0x2, s7;
	p0 =	seq.s32 s7, $0x0  }
0xc: {  	s12 =	sadd.s32 s6, s5;
	s14 =	sshrl.u32 s26, $0x1;
	s7 =	sadd.s32 $0x780, s25  }
0xd: {  	s28 =	sshrl.u32 s9, $0x2;
	s9 =	simm.s32 $0x3B;
	s6 =	sadd.s32 s6, s8  }
0xe: {  	s25 =	simm.s32 $0x2;
	s13 =	sadd.s32 s6, s5;
	s6 =	smul.u32 $0x78, s1  }
0xf: {  	s14 =	ssub.s32 s26, s14;
	s16 =	sadd.s32 s28, s2;
	s9 =	simm.s32 @!p0 $0x13  }
0x10: {  	s26 =	simm.s32 $0x0;
	s5 =	sadd.s32 $0x52200, s12;
	s7 =	smov.u32 @p0 s6  }
0x11: {  	s16 =	sshrl.u32 s16, $0x3;
	s12 =	sadd.s32 $0x79A00, s13;
	s30 =	sshll.u32 s7, $0x4  }
0x12: {  	s13 =	smax.u32 s14, $0x1;
	s6 =	sor.u32 $0x1C04, s29;
	s31 =	sor.u32 $0x10, s30  }
0x13: {  	s7 =	sadd.s32 s10, s30;
	s8 =	sadd.s32 s11, s30;
	s10 =	sadd.s32 s10, s31  }
0x14: {  	s11 =	sadd.s32 s11, s31;
	s14 =	sadd.s32 $0x30, s8;
	s15 =	sadd.s32 $0x30, s7  }
.LBB2_1:
0x15: {  	[spmem:s16], [sflag:s6] =	dma.local [hbm:s5], $0x2780  }
0x16: {  	_ =	swait.ge [sflag:s17], $0x2780  }
0x17: {  	[sflag:s17] =	ssyncset.done $0x0  }
0x18: {  	[sflag:s17] =	ssyncadd.s32 $0xFFFFD880  }
0x19: {  	[bflag:$0x0] =	sbarrier.arrive $0xFFFF  }
0x1a: {  	[tilespmem:s3], [sflag:$0x4] =	stream.linear.gather [hbm4b:s7+s3], $0x80, $0x38;
	[tilespmem:$0x1BE00] =	vst v63  }
0x1b: {  	_ =	swait.ge [sflag:s17], $0x80  }
0x1c: {  	[sflag:s17] =	ssyncset.done $0x0  }
0x1d: {  	[sflag:s17] =	ssyncadd.s32 $0xFFFFFF80  }
0x1e: {  	[tilespmem:s18], [sflag:$0x4] =	stream.linear.gather [hbm4b:s8+s3], $0x80, $0x38;
	[tilespmem:$0x1BE00] =	vst v63  }
0x1f: {  	_ =	swait.ge [sflag:s17], $0x80  }
0x20: {  	[sflag:s17] =	ssyncset.done $0x0  }
0x21: {  	[sflag:s17] =	ssyncadd.s32 $0xFFFFFF80  }
0x22: {  	[tilespmem:s19], [sflag:$0x1] =	stream.indirect.gather [hbm4b:s4+s18], $0x80, s3, s18, $0xb8;
	[tilespmem:$0x1BE00] =	vst v63  }
0x23: {  	_ = 	snop  }
0x24: {  	[tilespmem:s20], [sflag:$0x4] =	stream.linear.gather [hbm4b:s10+s3], $0x80, $0x38;
	[tilespmem:$0x1BE00] =	vst v63  }
0x25: {  	_ =	swait.ge [sflag:s17], $0x80  }
0x26: {  	[sflag:s17] =	ssyncset.done $0x0  }
0x27: {  	[sflag:s17] =	ssyncadd.s32 $0xFFFFFF80  }
0x28: {  	[tilespmem:s21], [sflag:$0x4] =	stream.linear.gather [hbm4b:s11+s3], $0x80, $0x38;
	[tilespmem:$0x1BE00] =	vst v63  }
0x29: {  	_ =	swait.ge [sflag:s17], $0x80  }
0x2a: {  	[sflag:s17] =	ssyncset.done $0x0  }
0x2b: {  	[sflag:s17] =	ssyncadd.s32 $0xFFFFFF80  }
0x2c: {  	[tilespmem:s22], [sflag:$0x2] =	stream.indirect.gather [hbm4b:s4+s18], $0x80, s20, s18, $0xb8;
	[tilespmem:$0x1BE00] =	vst v63  }
0x2d: {  	_ =	swait.ge [sflag:s23], $0x4000  }
0x2e: {  	[sflag:s23] =	ssyncset.done $0x0  }
0x2f: {  	[sflag:s23] =	ssyncadd.s32 $0xFFFFC000  }
0x30: {  	[spmem:s2] =	stream.indirect.scatter.add.f32 [tilespmem:s19], [sflag:$0x3], $0x80, s18, s18, $0xb8;
	[tilespmem:$0x1BE00] =	vst v63  }
0x31: {  	_ =	swait.ge [sflag:s24], $0x4000  }
0x32: {  	[sflag:s24] =	ssyncset.done $0x0  }
0x33: {  	s28 =	sadd.s32 $0xFFFFFFF0, s15;
	[sflag:s24] =	ssyncadd.s32 $0xFFFFC000  }
0x34: {  	[tilespmem:s3], [sflag:$0x4] =	stream.linear.gather [hbm4b:s28+s3], $0x80, $0x38;
	[tilespmem:$0x1BE00] =	vst v63  }
0x35: {  	_ =	swait.ge [sflag:s17], $0x80  }
0x36: {  	[sflag:s17] =	ssyncset.done $0x0  }
0x37: {  	s28 =	sadd.s32 $0xFFFFFFF0, s14;
	[sflag:s17] =	ssyncadd.s32 $0xFFFFFF80  }
0x38: {  	[tilespmem:s18], [sflag:$0x4] =	stream.linear.gather [hbm4b:s28+s3], $0x80, $0x38;
	[tilespmem:$0x1BE00] =	vst v63  }
0x39: {  	_ =	swait.ge [sflag:s17], $0x80  }
0x3a: {  	[sflag:s17] =	ssyncset.done $0x0  }
0x3b: {  	[sflag:s17] =	ssyncadd.s32 $0xFFFFFF80  }
0x3c: {  	[tilespmem:s19], [sflag:$0x1] =	stream.indirect.gather [hbm4b:s4+s18], $0x80, s3, s18, $0xb8;
	[tilespmem:$0x1BE00] =	vst v63  }
0x3d: {  	_ =	swait.ge [sflag:s25], $0x4000  }
0x3e: {  	[sflag:s25] =	ssyncset.done $0x0  }
0x3f: {  	[sflag:s25] =	ssyncadd.s32 $0xFFFFC000  }
0x40: {  	[spmem:s2] =	stream.indirect.scatter.add.f32 [tilespmem:s22], [sflag:$0x3], $0x80, s21, s18, $0xb8;
	[tilespmem:$0x1BE00] =	vst v63  }
0x41: {  	_ =	swait.ge [sflag:s24], $0x4000  }
0x42: {  	[sflag:s24] =	ssyncset.done $0x0  }
0x43: {  	[sflag:s24] =	ssyncadd.s32 $0xFFFFC000  }
0x44: {  	[tilespmem:s20], [sflag:$0x4] =	stream.linear.gather [hbm4b:s15+s3], $0x80, $0x38;
	[tilespmem:$0x1BE00] =	vst v63  }
0x45: {  	_ =	swait.ge [sflag:s17], $0x80  }
0x46: {  	[sflag:s17] =	ssyncset.done $0x0  }
0x47: {  	[sflag:s17] =	ssyncadd.s32 $0xFFFFFF80  }
0x48: {  	[tilespmem:s21], [sflag:$0x4] =	stream.linear.gather [hbm4b:s14+s3], $0x80, $0x38;
	[tilespmem:$0x1BE00] =	vst v63  }
0x49: {  	_ =	swait.ge [sflag:s17], $0x80  }
0x4a: {  	p0 =	sne.s32 s9, $0x1;
	[sflag:s17] =	ssyncset.done $0x0  }
.Ltmp0:
0x4b: {  	[sflag:s17] =	ssyncadd.s32 $0xFFFFFF80;
	(pc) =	sbr.rel @!p0 .LBB2_3-.Ltmp0, $4  }
0x4c: {  	[tilespmem:s22], [sflag:$0x2] =	stream.indirect.gather [hbm4b:s4+s18], $0x80, s20, s18, $0xb8;
	[tilespmem:$0x1BE00] =	vst v63  }
0x4d: {  	_ =	swait.ge [sflag:s23], $0x4000  }
0x4e: {  	s29 =	sadd.s32 $0x20, s14;
	[sflag:s23] =	ssyncset.done $0x0  }
0x4f: {  	s30 =	sadd.s32 $0x20, s15;
	s28 =	sadd.s32 $0xFFFFFFFF, s9;
	[sflag:s23] =	ssyncadd.s32 $0xFFFFC000  }
.LBB2_2:
0x50: {  	[spmem:s2] =	stream.indirect.scatter.add.f32 [tilespmem:s19], [sflag:$0x3], $0x80, s18, s18, $0xb8;
	[tilespmem:$0x1BE00] =	vst v63  }
0x51: {  	p0 =	sne.s32 s28, $0x1;
	s28 =	sadd.s32 $0xFFFFFFFF, s28;
	_ =	swait.ge [sflag:s24], $0x4000  }
0x52: {  	[sflag:s24] =	ssyncset.done $0x0  }
0x53: {  	s31 =	sadd.s32 $0xFFFFFFF0, s30;
	[sflag:s24] =	ssyncadd.s32 $0xFFFFC000  }
0x54: {  	[tilespmem:s3], [sflag:$0x4] =	stream.linear.gather [hbm4b:s31+s3], $0x80, $0x38;
	[tilespmem:$0x1BE00] =	vst v63  }
0x55: {  	_ =	swait.ge [sflag:s17], $0x80  }
0x56: {  	[sflag:s17] =	ssyncset.done $0x0  }
0x57: {  	s31 =	sadd.s32 $0xFFFFFFF0, s29;
	[sflag:s17] =	ssyncadd.s32 $0xFFFFFF80  }
0x58: {  	[tilespmem:s18], [sflag:$0x4] =	stream.linear.gather [hbm4b:s31+s3], $0x80, $0x38;
	[tilespmem:$0x1BE00] =	vst v63  }
0x59: {  	_ =	swait.ge [sflag:s17], $0x80  }
0x5a: {  	[sflag:s17] =	ssyncset.done $0x0  }
0x5b: {  	[sflag:s17] =	ssyncadd.s32 $0xFFFFFF80  }
0x5c: {  	[tilespmem:s19], [sflag:$0x1] =	stream.indirect.gather [hbm4b:s4+s18], $0x80, s3, s18, $0xb8;
	[tilespmem:$0x1BE00] =	vst v63  }
0x5d: {  	_ =	swait.ge [sflag:s25], $0x4000  }
0x5e: {  	[sflag:s25] =	ssyncset.done $0x0  }
0x5f: {  	[sflag:s25] =	ssyncadd.s32 $0xFFFFC000  }
0x60: {  	[spmem:s2] =	stream.indirect.scatter.add.f32 [tilespmem:s22], [sflag:$0x3], $0x80, s21, s18, $0xb8;
	[tilespmem:$0x1BE00] =	vst v63  }
0x61: {  	_ =	swait.ge [sflag:s24], $0x4000  }
0x62: {  	[sflag:s24] =	ssyncset.done $0x0  }
0x63: {  	[sflag:s24] =	ssyncadd.s32 $0xFFFFC000  }
0x64: {  	[tilespmem:s20], [sflag:$0x4] =	stream.linear.gather [hbm4b:s30+s3], $0x80, $0x38;
	[tilespmem:$0x1BE00] =	vst v63  }
0x65: {  	_ =	swait.ge [sflag:s17], $0x80  }
0x66: {  	[sflag:s17] =	ssyncset.done $0x0  }
0x67: {  	[sflag:s17] =	ssyncadd.s32 $0xFFFFFF80  }
0x68: {  	[tilespmem:s21], [sflag:$0x4] =	stream.linear.gather [hbm4b:s29+s3], $0x80, $0x38;
	[tilespmem:$0x1BE00] =	vst v63  }
0x69: {  	_ =	swait.ge [sflag:s17], $0x80  }
0x6a: {  	[sflag:s17] =	ssyncset.done $0x0  }
.Ltmp1:
0x6b: {  	[sflag:s17] =	ssyncadd.s32 $0xFFFFFF80;
	(pc) =	sbr.rel @p0 .LBB2_2-.Ltmp1, $4  }
0x6c: {  	[tilespmem:s22], [sflag:$0x2] =	stream.indirect.gather [hbm4b:s4+s18], $0x80, s20, s18, $0xb8;
	[tilespmem:$0x1BE00] =	vst v63  }
0x6d: {  	_ =	swait.ge [sflag:s23], $0x4000  }
0x6e: {  	[sflag:s23] =	ssyncset.done $0x0  }
0x6f: {  	s30 =	sadd.s32 $0x20, s30;
	s29 =	sadd.s32 $0x20, s29;
	[sflag:s23] =	ssyncadd.s32 $0xFFFFC000  }
.LBB2_3:
0x70: {  	[spmem:s2] =	stream.indirect.scatter.add.f32 [tilespmem:s19], [sflag:$0x3], $0x80, s18, s18, $0xb8;
	[tilespmem:$0x1BE00] =	vst v63  }
0x71: {  	_ =	swait.ge [sflag:s24], $0x4000  }
0x72: {  	[sflag:s24] =	ssyncset.done $0x0  }
0x73: {  	[sflag:s24] =	ssyncadd.s32 $0xFFFFC000  }
0x74: {  	_ =	swait.ge [sflag:s25], $0x4000  }
0x75: {  	[sflag:s25] =	ssyncset.done $0x0  }
0x76: {  	[sflag:s25] =	ssyncadd.s32 $0xFFFFC000  }
0x77: {  	[spmem:s2] =	stream.indirect.scatter.add.f32 [tilespmem:s22], [sflag:$0x3], $0x80, s21, s18, $0xb8;
	[tilespmem:$0x1BE00] =	vst v63  }
0x78: {  	_ =	swait.ge [sflag:s24], $0x4000  }
0x79: {  	s26 =	sadd.s32 $0x1, s26;
	[sflag:s24] =	ssyncset.done $0x0  }
0x7a: {  	p0 =	sne.s32 s26, s13;
	[sflag:s24] =	ssyncadd.s32 $0xFFFFC000  }
.Ltmp2:
0x7b: {  	[bflag:$0x0] =	sbarrier.arrive $0xFFFF;
	(pc) =	sbr.rel @p0 .LBB2_1-.Ltmp2, $4  }
0x7c: {  	[hbm:s12], [sflag:s6] =	dma.local [spmem:s16], $0x2780  }
0x7d: {  	_ =	swait.ge [sflag:s17], $0x2780  }
0x7e: {  	[sflag:s17] =	ssyncset.done $0x0  }
0x7f: {  	[sflag:s17] =	ssyncadd.s32 $0xFFFFD880  }
0x80: {  	_ =	sfence.sel $0x180000  }
0x81: {  	[bflag:$0x0] =	sbarrier.arrive $0xFFFF  }
0x82: {  	p0 =	sne.s32 s1, $0x0;
	_ =	strace $0x9000004D  }
0x83: {  	s0 =	sadd.s32 @!p0 $0x100000, s0;
	[bflag:$0x2] =	sbarrier.arrive $0xFFFF  }
0x84: {  	[sflag:s0] =	ssyncadd.tile.s32 @!p0 $0x1;
	_ =	shalt  }
.Lfunc_end2:
_tile_overlayer_lowered:
.L_overlay_start_2:
0x85: {  	(tag) =	ssettag $0x2  }
0x86: {  	s0 =	rddreg [dreg:$0x0];
	s2 =	stileid.u32  }
0x87: {  	s1 =	rddreg [dreg:$0x1];
	p0 =	sne.s32 s2, $0x0  }
0x88: {  	s3 =	rddreg [dreg:$0x2];
	[bflag:$0x3] =	sbarrier.arrive $0xFFFF;
	s2 =	simm.s32 @!p0 $0x1C04  }
0x89: {  	[timem:s3], [sflag:s2] =	dma.local @!p0 [hbm:s0], s1  }
0x8a: {  	s0 =	simm.s32 @!p0 $0x4  }
0x8b: {  	_ =	swait.ge @!p0 [sflag:s0], s1  }
0x8c: {  	s1 =	ssub.s32 @!p0 $0x0, s1;
	[sflag:s0] =	ssyncset.done @!p0 $0x0  }
0x8d: {  	[sflag:s0] =	ssyncadd.s32 @!p0 s1  }
0x8e: {  	[bflag:$0x3] =	sbarrier.arrive $0xFFFF  }
0x8f: {  	_ =	shalt  }

// kernel: kernel.8.cloned.1.call-start
scs
__scs_entry_jumppad:
0x0: {  	(pc) =	sbr.rel $0x88, $3  }
0x1: {  	(tag) =	ssettag $0x0;
	lr =	simm.s32 $0x1  }
0x2: {  	[smem:$0x3F95] =	sst lr;
	_ =	strace $0xD0000000  }
0x3: {  	_ = 	snop  }
0x4: {  	_ = 	snop  }
0x5: {  	_ = 	snop  }
0x6: {  	_ = 	snop  }
0x7: {  	_ = 	snop  }
__scs_overlays_trampoline_lowered:
0x8: {  	[smem:$0x3FA4] =	sst s0  }
0x9: {  	[smem:$0x3FA5] =	sst s1  }
0xa: {  	[smem:$0x3FA6] =	sst s2  }
0xb: {  	[smem:$0x3FA7] =	sst s3  }
0xc: {  	[smem:$0x3FA8] =	sst s4  }
0xd: {  	[smem:$0x3FA9] =	sst s5  }
0xe: {  	[smem:$0x3FAA] =	sst s6  }
0xf: {  	[smem:$0x3FAB] =	sst s7  }
0x10: {  	[smem:$0x3FAC] =	sst s8  }
0x11: {  	[smem:$0x3FAD] =	sst s9;
	s0 =	simm.s32 @!p0 $0x0  }
0x12: {  	s1 =	sld [smem:$0x3F93];
	s0 =	simm.s32 @p0 $0x1  }
0x13: {  	[smem:$0x3FAE] =	sst s0;
	s0 =	simm.s32 @!p1 $0x0  }
0x14: {  	s2 =	sld [smem:$0x3F92];
	s0 =	simm.s32 @p1 $0x1  }
0x15: {  	[smem:$0x3FAF] =	sst s0;
	s0 =	simm.s32 @!p2 $0x0  }
0x16: {  	s3 =	sld [smem:$0x3FDB];
	s0 =	simm.s32 @p2 $0x1  }
0x17: {  	s4 =	simm.s32 $0x1BF5;
	[smem:$0x3FB1] =	sst s0  }
0x18: {  	s0 =	sld [smem:$0x3F94];
	_ =	swait.ge [sflag:s4], $0x0  }
0x19: {  	s7 =	sld [smem:$0x3F95]  }
0x1a: {  	s8 =	sadd.s32 $0xFFFFE003, lr  }
0x1b: {  	s9 =	sadd.s32 $0xFFFFFEF7, lr;
	s5 =	simm.s32 $0xFFFFFFFF;
	p2 =	slt.u32 s8, $0xFFFFF086  }
0x1c: {  	p1 =	slt.u32 s9, $0xF7A;
	s5 =	simm.s32 @!p2 $0x0  }
0x1d: {  	s5 =	simm.s32 @p1 $0x1;
	p0 =	seq.s32 s7, s2  }
0x1e: {  	s7 =	smul.u32 @!p0 $0xF7A, s2;
	p2 =	seq.s32 @!p0 s5, $0x0  }
0x1f: {  	s9 =	smul.u32 $0xF7A, s1;
	s8 =	simm.s32 @!p0 $0x1BF5;
	p2 =	por !p2, p0  }
0x20: {  	[sflag:s8] =	ssyncset.s32 @!p0 $0xFFFFF086;
	s6 =	sadd.s32 @!p0 s3, s7;
	s7 =	simm.s32 @!p0 $0x108  }
0x21: {  	s3 =	sadd.s32 s3, s9;
	s6 =	sadd.s32 @!p0 $0x88, s6;
	s7 =	simm.s32 @p2 $0x1082  }
0x22: {  	[simem:s7], [sflag:s8] =	dma.local @!p0 [hbm:s6], $0xF7A  }
0x23: {  	s9 =	sor.u32 $0xD0000000, s2;
	s6 =	simm.s32 $0x108;
	_ =	swait.ge @!p0 [sflag:s8], $0x0  }
0x24: {  	s3 =	sadd.s32 $0x88, s3;
	s6 =	simm.s32 @!p1 $0x1082;
	[sflag:s4] =	ssyncset.s32 $0xFFFFF086  }
0x25: {  	[simem:s6], [sflag:s4] =	dma.local [hbm:s3], $0xF7A  }
0x26: {  	[smem:$0x3F95] =	sst s1;
	(tag) =	ssettag s2;
	_ =	strace s9  }
0x27: {  	s1 =	sld [smem:$0x3FA5]  }
0x28: {  	s2 =	sld [smem:$0x3FA6]  }
0x29: {  	s4 =	sld [smem:$0x3FA8]  }
0x2a: {  	p0 =	seq.s32 s5, $0x0;
	s5 =	sld [smem:$0x3FA9]  }
0x2b: {  	s6 =	sld [smem:$0x3FAA]  }
0x2c: {  	s7 =	sld [smem:$0x3FAB]  }
0x2d: {  	s3 =	simm.s32 $0x108;
	s8 =	sld [smem:$0x3FAC]  }
0x2e: {  	s3 =	simm.s32 @!p0 $0x1082;
	s9 =	sld [smem:$0x3FAD]  }
0x2f: {  	lr =	sadd.s32 s0, s3;
	s0 =	sld [smem:$0x3FA4]  }
0x30: {  	s3 =	sld [smem:$0x3FA7]  }
0x31: {  	[smem:$0x3FB0] =	sst s10  }
0x32: {  	s10 =	sld [smem:$0x3FAE];
	_ =	sdelay $0x3  }
0x33: {  	p0 =	seq.s32 s10, $0x1;
	s10 =	sld [smem:$0x3FB0];
	_ =	sdelay $0x3  }
0x34: {  	[smem:$0x3FB0] =	sst s10  }
0x35: {  	s10 =	sld [smem:$0x3FAF];
	_ =	sdelay $0x3  }
0x36: {  	p1 =	seq.s32 s10, $0x1;
	s10 =	sld [smem:$0x3FB0];
	_ =	sdelay $0x3  }
0x37: {  	[smem:$0x3FB0] =	sst s10  }
0x38: {  	s10 =	sld [smem:$0x3FB1]  }
0x39: {  	_ = 	snop;
	(pc) =	sbr.ind lr, $3  }
0x3a: {  	_ = 	snop  }
0x3b: {  	_ = 	snop  }
0x3c: {  	p2 =	seq.s32 s10, $0x1;
	s10 =	sld [smem:$0x3FB0]  }
0x3d: {  	_ =	shalt  }
0x3e: {  	_ =	shalt  }
0x3f: {  	_ =	shalt  }
0x40: {  	_ =	shalt  }
0x41: {  	_ =	shalt  }
0x42: {  	_ =	shalt  }
0x43: {  	_ =	shalt  }
0x44: {  	_ =	shalt  }
0x45: {  	_ =	shalt  }
0x46: {  	_ =	shalt  }
0x47: {  	_ =	shalt  }
0x48: {  	_ =	shalt  }
0x49: {  	_ =	shalt  }
0x4a: {  	_ =	shalt  }
0x4b: {  	_ =	shalt  }
0x4c: {  	_ =	shalt  }
0x4d: {  	_ =	shalt  }
0x4e: {  	_ =	shalt  }
0x4f: {  	_ =	shalt  }
0x50: {  	_ =	shalt  }
0x51: {  	_ =	shalt  }
0x52: {  	_ =	shalt  }
0x53: {  	_ =	shalt  }
0x54: {  	_ =	shalt  }
0x55: {  	_ =	shalt  }
0x56: {  	_ =	shalt  }
0x57: {  	_ =	shalt  }
0x58: {  	_ =	shalt  }
0x59: {  	_ =	shalt  }
0x5a: {  	_ =	shalt  }
0x5b: {  	_ =	shalt  }
0x5c: {  	_ =	shalt  }
0x5d: {  	_ =	shalt  }
0x5e: {  	_ =	shalt  }
0x5f: {  	_ =	shalt  }
0x60: {  	_ =	shalt  }
0x61: {  	_ =	shalt  }
0x62: {  	_ =	shalt  }
0x63: {  	_ =	shalt  }
0x64: {  	_ =	shalt  }
0x65: {  	_ =	shalt  }
0x66: {  	_ =	shalt  }
0x67: {  	_ =	shalt  }
0x68: {  	_ =	shalt  }
0x69: {  	_ =	shalt  }
0x6a: {  	_ =	shalt  }
0x6b: {  	_ =	shalt  }
0x6c: {  	_ =	shalt  }
0x6d: {  	_ =	shalt  }
0x6e: {  	_ =	shalt  }
0x6f: {  	_ =	shalt  }
0x70: {  	_ =	shalt  }
0x71: {  	_ =	shalt  }
0x72: {  	_ =	shalt  }
0x73: {  	_ =	shalt  }
0x74: {  	_ =	shalt  }
0x75: {  	_ =	shalt  }
0x76: {  	_ =	shalt  }
0x77: {  	_ =	shalt  }
0x78: {  	_ =	shalt  }
0x79: {  	_ =	shalt  }
0x7a: {  	_ =	shalt  }
0x7b: {  	_ =	shalt  }
0x7c: {  	_ =	shalt  }
0x7d: {  	_ =	shalt  }
0x7e: {  	_ =	shalt  }
0x7f: {  	_ =	shalt  }
0x80: {  	_ =	shalt  }
0x81: {  	_ =	shalt  }
0x82: {  	_ =	shalt  }
0x83: {  	_ =	shalt  }
0x84: {  	_ =	shalt  }
0x85: {  	_ =	shalt  }
0x86: {  	_ =	shalt  }
0x87: {  	_ =	shalt  }
.Lfunc_end0:
.L_simem_size_0:
called_computation_lowered:
.L_overlay_start_0:
0x88: {  	s2 =	sld [smem:$0x3FD9]  }
0x89: {  	s3 =	sld [smem:$0x3FFE];
	_ =	sdelay $0x1  }
0x8a: {  	s1 =	srdreg.scid  }
0x8b: {  	s0 =	sand.u32 $0x1, s1  }
0x8c: {  	s16 =	sshll.u32 s0, $0xA;
	s2 =	sadd.s32 s3, s2  }
0x8d: {  	s2 =	sadd.s32 s2, s16  }
0x8e: {  	[smem:$0x3FBC] =	sst s2  }
0x8f: {  	_ = 	snop  }
0x90: {  	(tm) =	ssettm $0x1  }
0x91: {  	s17 =	sld [smem:$0x3FFB];
	_ =	sdelay $0x3  }
0x92: {  	_ =	strace s17  }
0x93: {  	s2 =	sld [smem:$0x3FFC];
	_ =	sdelay $0x3  }
0x94: {  	_ =	strace s2  }
0x95: {  	s2 =	sld [smem:$0x3FFD];
	_ =	sdelay $0x3  }
0x96: {  	_ =	strace s2  }
0x97: {  	_ =	strace $0x8FFFFFFF  }
0x98: {  	s18 =	sld [smem:$0x3FDB];
	_ =	sdelay $0x1  }
0x99: {  	s19 =	simm.s32 $_scs_section_size  }
0x9a: {  	s4 =	simm.s32 $_size__tile_overlayer_lowered;
	s5 =	simm.s32 $_tile_overlayer_lowered  }
0x9b: {  	s22 =	simm.s32 $0x1BFF;
	s21 =	sshll.u32 s5, $0x1;
	s2 =	sadd.s32 s19, s18  }
0x9c: {  	s6 =	simm.s32 $0x0;
	s20 =	sshll.u32 s4, $0x1;
	s4 =	sadd.s32 s21, s2  }
0x9d: {  	[timem:s6], [sflag:s22] =	dma.local [hbm:s4], s20  }
0x9e: {  	_ =	swait.ge [sflag:s22], s20  }
0x9f: {  	s3 =	ssub.s32 $0x0, s20;
	[sflag:s22] =	ssyncset.done $0x0  }
0xa0: {  	[sflag:s22] =	ssyncadd.s32 s3;
	_ =	sdelay $0x1  }
0xa1: {  	s23 =	simm.s32 $0x1B8B  }
0xa2: {  	_ =	swait.ge [sflag:s23], $0x1  }
0xa3: {  	[sflag:s23] =	ssyncset.done $0x0  }
0xa4: {  	s25 =	simm.s32 $0x1B8E;
	s24 =	sld [smem:$0x3FFE];
	[sflag:s23] =	ssyncadd.s32 $0xFFFFFFFF  }
0xa5: {  	s26 =	simm.s32 $execute0_lowered;
	[smem:$0x3FD2] =	sst s25  }
0xa6: {  	s4 =	sshll.u32 s26, $0x1;
	_ =	strace $0x80000046;
	[dreg:$0x1] =	wrdreg $0xFFFFFFFF  }
0xa7: {  	s28 =	simm.s32 $_size_execute0_lowered;
	s2 =	sadd.s32 s2, s4;
	[dreg:$0x0] =	wrdreg $0x0  }
0xa8: {  	s4 =	sshll.u32 s28, $0x1;
	[dreg:$0x2] =	wrdreg s2  }
0xa9: {  	[dreg:$0x3] =	wrdreg s4  }
0xaa: {  	[dreg:$0x4] =	wrdreg $0xC0  }
0xab: {  	_ =	task [dreg:s6], $0x5FFFF  }
0xac: {  	[dreg:$0x1] =	wrdreg $0xFFFFFFFF  }
0xad: {  	[dreg:$0x0] =	wrdreg $0x60  }
0xae: {  	[dreg:$0x2] =	wrdreg s24  }
0xaf: {  	[dreg:$0x3] =	wrdreg $0x9  }
0xb0: {  	_ =	task.clear_ibuf [dreg:s6], $0x4FFFF;
	_ =	strace $0x90000046  }
0xb1: {  	s29 =	simm.s32 $0x9;
	_ =	strace $0x80000048  }
0xb2: {  	_ =	swait.ge [sflag:s29], $0x1  }
0xb3: {  	[sflag:s29] =	ssyncadd.s32 $0xFFFFFFFF  }
0xb4: {  	_ =	strace $0x90000048  }
0xb5: {  	_ =	sfence  }
0xb6: {  	s30 =	sld [smem:$0x0];
	_ =	sdelay $0x2  }
0xb7: {  	s31 =	sshll.u32 s1, $0xD;
	s1 =	sshrl.u32 s1, $0x2  }
0xb8: {  	s3 =	sand.u32 $0x4000, s31;
	s1 =	sadd.s32 s1, s30  }
0xb9: {  	s0 =	sor.u32 s3, s0;
	s1 =	sshll.u32 s1, $0x11  }
0xba: {  	s0 =	sor.u32 s1, s0  }
0xbb: {  	s0 =	sadd.s32 $0x8F2B, s0  }
0xbc: {  	[sflag:s0] =	ssyncadd.remote.s32 $0x1  }
0xbd: {  	_ =	sfence.sel $0xFFFF  }
0xbe: {  	[dreg:$0x0] =	wrdreg $0xFFFFFFFF;
	(pc) =	sbr.abs _section_cstart, $3  }
0xbf: {  	[dreg:$0x1] =	wrdreg $0xFFFFFFFF  }
0xc0: {  	_ =	task.clear_ibuf [dreg:s6], $0x2FFFF;
	_ =	strace $0x9FFFFFFF  }
0xc1: {  	(tm) =	ssettm $0x7FFFFFFF  }
tec
execute0_lowered:
.L_overlay_start_1:
0x0: {  	(tag) =	ssettag $0x1  }
0x1: {  	s1 =	srdreg.scid  }
0x2: {  	s0 =	stileid.u32;
	s4 =	rddreg [dreg:$0x0]  }
0x3: {  	s2 =	simm.s32 $0x0;
	s5 =	sand.u32 $0x1, s1;
	s6 =	smul.u32 $0x278, s0  }
0x4: {  	[smem:$0x7FF] =	sst s2;
	s3 =	smul.u32 $0x2780, s5;
	s8 =	ssub.s32 $0x2, s5  }
0x5: {  	s1 =	rddreg [dreg:$0x1];
	_ =	strace $0x80000047;
	s9 =	sshrl.u32 s8, $0x1  }
0x6: {  	s31 =	sadd.s32 $0x278, s6;
	s7 =	sadd.s32 s6, s3;
	s3 =	sadd.s32 $0x2C00, s4  }
0x7: {  	s8 =	ssub.s32 s8, s9;
	s9 =	simm.s32 $0x0;
	s7 =	sshll.u32 s7, $0x1  }
0x8: {  	v2 =	vimm.f32 $0.0e+00;
	v0 =	vmov s6;
	s6 =	smax.u32 s8, $0x1;
	s8 =	simm.s32 $0x2000;
	s7 =	sadd.s32 s7, s4  }
0x9: {  	v3 =	vlaneseq.u32;
	v4 =	vimm.f32 $1.000000000e+00;
	v1 =	vmov s31;
	s4 =	smul.u32 $0x28000, s5;
	s5 =	sadd.s32 $0x16C00, s7;
	s7 =	simm.s32 $0x1  }
.LBB2_1:
0xa: {  	s10 =	simm.s32 $0x40;
	s11 =	simm.s32 $0x0  }
.LBB2_2:
0xb: {  	p0 =	sne.s32 s10, $0x9DC0;
	[tilespmem:s11+$0x2000] =	vst v2;
	s11 =	smov.u32 s10;
	s10 =	sadd.s32 $0x40, s10  }
.Ltmp0:
0xc: {  	(pc) =	sbr.rel @p0 .LBB2_2-.Ltmp0, $2  }
0xd: {  	_ =	sdelay $0x2  }
0xe: {  	s11 =	sshra.s32 s11, $0x2  }
0xf: {  	[tilespmem:s11+$0x2000] =	vst v2;
	s10 =	simm.s32 $0x0;
	s11 =	simm.s32 $0x0  }
.LBB2_4:
0x10: {  	s12 =	sshll.u32 s11, $0xD  }
0x11: {  	s12 =	sadd.s32 s4, s12  }
0x12: {  	s12 =	sshrl.u32 s12, $0x3  }
0x13: {  	s12 =	sadd.s32 s3, s12  }
0x14: {  	[tilespmem:s10], [sflag:$0x1] =	stream.linear.gather [hbm4b:s12+s10], $0x2000, $0x38;
	[tilespmem:$0x4780] =	vst v63  }
0x15: {  	_ =	swait.ge [sflag:s7], $0x2000  }
0x16: {  	[sflag:s7] =	ssyncset.done $0x0  }
0x17: {  	s12 =	simm.s32 $0x0;
	[sflag:s7] =	ssyncadd.s32 $0xFFFFE000  }
.LBB2_5:
0x18: {  	s13 =	sshra.s32 s12, $0x2  }
0x19: {  	v5 =	vld [tilespmem:s13+$0x0];
	_ =	sdelay $0x4  }
0x1a: {  	v6 =	vsub.s32 v5, v0  }
0x1b: {  	vm0 =	vgt.s32 v6, $0x0  }
0x1c: {  	v6 =	vnsel vm0, $0x0, v6  }
0x1d: {  	vm6 =	vge.s32 v5, v0;
	vm1 =	vlt.s32 v5, v1;
	v6 =	vmin.u32 v6, $0x277  }
0x1e: {  	vm0 =	vmand vm6, vm1;
	v5 =	vshll.u32 v6, $0x4  }
0x1f: {  	v5 =	vor.u32 v3, v5;
	_ =	sdelay $0x4  }
0x20: {  	[tilespmem:v5+s8+$0x0] =	vst.idx.add.f32.msk vm0, v4  }
0x21: {  	v5 =	vld [tilespmem:s13+$0x10];
	_ =	sdelay $0x4  }
0x22: {  	v6 =	vsub.s32 v5, v0  }
0x23: {  	vm7 =	vgt.s32 v6, $0x0  }
0x24: {  	v6 =	vnsel vm7, $0x0, v6  }
0x25: {  	vm8 =	vge.s32 v5, v0;
	vm9 =	vlt.s32 v5, v1;
	v6 =	vmin.u32 v6, $0x277  }
0x26: {  	vm0 =	vmand vm8, vm9;
	v5 =	vshll.u32 v6, $0x4  }
0x27: {  	v5 =	vor.u32 v3, v5;
	_ =	sdelay $0x4  }
0x28: {  	[tilespmem:v5+s8+$0x0] =	vst.idx.add.f32.msk vm0, v4  }
0x29: {  	v5 =	vld [tilespmem:s13+$0x20];
	_ =	sdelay $0x4  }
0x2a: {  	v6 =	vsub.s32 v5, v0  }
0x2b: {  	vm10 =	vgt.s32 v6, $0x0  }
0x2c: {  	v6 =	vnsel vm10, $0x0, v6  }
0x2d: {  	vm11 =	vge.s32 v5, v0;
	vm12 =	vlt.s32 v5, v1;
	v6 =	vmin.u32 v6, $0x277  }
0x2e: {  	vm0 =	vmand vm11, vm12;
	v5 =	vshll.u32 v6, $0x4  }
0x2f: {  	v5 =	vor.u32 v3, v5;
	_ =	sdelay $0x4  }
0x30: {  	[tilespmem:v5+s8+$0x0] =	vst.idx.add.f32.msk vm0, v4  }
0x31: {  	v5 =	vld [tilespmem:s13+$0x30];
	_ =	sdelay $0x4  }
0x32: {  	v6 =	vsub.s32 v5, v0  }
0x33: {  	vm13 =	vgt.s32 v6, $0x0  }
0x34: {  	v6 =	vnsel vm13, $0x0, v6  }
0x35: {  	vm14 =	vge.s32 v5, v0;
	vm15 =	vlt.s32 v5, v1;
	v6 =	vmin.u32 v6, $0x277  }
0x36: {  	vm0 =	vmand vm14, vm15;
	v5 =	vshll.u32 v6, $0x4  }
0x37: {  	v5 =	vor.u32 v3, v5;
	_ =	sdelay $0x4  }
0x38: {  	[tilespmem:v5+s8+$0x0] =	vst.idx.add.f32.msk vm0, v4  }
0x39: {  	v5 =	vld [tilespmem:s13+$0x40];
	_ =	sdelay $0x4  }
0x3a: {  	v6 =	vsub.s32 v5, v0  }
0x3b: {  	vm4 =	vgt.s32 v6, $0x0  }
0x3c: {  	v6 =	vnsel vm4, $0x0, v6  }
0x3d: {  	vm5 =	vge.s32 v5, v0;
	vm6 =	vlt.s32 v5, v1;
	v6 =	vmin.u32 v6, $0x277  }
0x3e: {  	vm0 =	vmand vm5, vm6;
	v5 =	vshll.u32 v6, $0x4  }
0x3f: {  	v5 =	vor.u32 v3, v5;
	_ =	sdelay $0x4  }
0x40: {  	[tilespmem:v5+s8+$0x0] =	vst.idx.add.f32.msk vm0, v4  }
0x41: {  	v5 =	vld [tilespmem:s13+$0x50];
	_ =	sdelay $0x4  }
0x42: {  	v6 =	vsub.s32 v5, v0  }
0x43: {  	vm7 =	vgt.s32 v6, $0x0  }
0x44: {  	v6 =	vnsel vm7, $0x0, v6  }
0x45: {  	vm8 =	vge.s32 v5, v0;
	vm9 =	vlt.s32 v5, v1;
	v6 =	vmin.u32 v6, $0x277  }
0x46: {  	vm0 =	vmand vm8, vm9;
	v5 =	vshll.u32 v6, $0x4  }
0x47: {  	v5 =	vor.u32 v3, v5;
	_ =	sdelay $0x4  }
0x48: {  	[tilespmem:v5+s8+$0x0] =	vst.idx.add.f32.msk vm0, v4  }
0x49: {  	v5 =	vld [tilespmem:s13+$0x60];
	_ =	sdelay $0x4  }
0x4a: {  	v6 =	vsub.s32 v5, v0  }
0x4b: {  	vm10 =	vgt.s32 v6, $0x0  }
0x4c: {  	v6 =	vnsel vm10, $0x0, v6  }
0x4d: {  	vm11 =	vge.s32 v5, v0;
	vm12 =	vlt.s32 v5, v1;
	v6 =	vmin.u32 v6, $0x277  }
0x4e: {  	vm0 =	vmand vm11, vm12;
	v5 =	vshll.u32 v6, $0x4  }
0x4f: {  	v5 =	vor.u32 v3, v5;
	_ =	sdelay $0x4  }
0x50: {  	[tilespmem:v5+s8+$0x0] =	vst.idx.add.f32.msk vm0, v4  }
0x51: {  	v5 =	vld [tilespmem:s13+$0x70];
	_ =	sdelay $0x4  }
0x52: {  	v6 =	vsub.s32 v5, v0  }
0x53: {  	vm13 =	vgt.s32 v6, $0x0  }
0x54: {  	v6 =	vnsel vm13, $0x0, v6  }
0x55: {  	vm14 =	vge.s32 v5, v0;
	vm15 =	vlt.s32 v5, v1;
	v6 =	vmin.u32 v6, $0x277  }
0x56: {  	vm0 =	vmand vm14, vm15;
	v5 =	vshll.u32 v6, $0x4  }
0x57: {  	p0 =	sne.s32 s12, $0x7E00;
	v5 =	vor.u32 v3, v5  }
.Ltmp1:
0x58: {  	_ = 	snop;
	(pc) =	sbr.rel @p0 .LBB2_5-.Ltmp1, $2  }
0x59: {  	_ =	sdelay $0x2  }
0x5a: {  	s12 =	sadd.s32 $0x200, s12;
	[tilespmem:v5+s8+$0x0] =	vst.idx.add.f32.msk vm0, v4  }
0x5b: {  	s11 =	sadd.s32 $0x1, s11  }
0x5c: {  	p0 =	sne.s32 s11, $0x14  }
.Ltmp2:
0x5d: {  	_ = 	snop;
	(pc) =	sbr.rel @p0 .LBB2_4-.Ltmp2, $1  }
0x5e: {  	_ =	sdelay $0x3  }
0x5f: {  	s9 =	sadd.s32 $0x1, s9  }
0x60: {  	p0 =	sne.s32 s9, s6  }
.Ltmp3:
0x61: {  	_ = 	snop;
	(pc) =	sbr.rel @p0 .LBB2_1-.Ltmp3, $4  }
0x62: {  	[hbm4b:s5+s2] =	stream.linear.scatter [tilespmem:s8], [sflag:$0x1], $0x2780, $0x38;
	[tilespmem:$0x4780] =	vst v63  }
0x63: {  	_ =	swait.ge [sflag:s7], $0x2780  }
0x64: {  	[sflag:s7] =	ssyncset.done $0x0  }
0x65: {  	[sflag:s7] =	ssyncadd.s32 $0xFFFFD880  }
0x66: {  	_ =	sfence.sel $0x180000  }
0x67: {  	[bflag:$0x0] =	sbarrier.arrive $0xFFFF  }
0x68: {  	p0 =	sne.s32 s0, $0x0;
	_ =	strace $0x90000047  }
0x69: {  	s0 =	sadd.s32 @!p0 $0x100000, s1;
	[bflag:$0x2] =	sbarrier.arrive $0xFFFF  }
0x6a: {  	[sflag:s0] =	ssyncadd.tile.s32 @!p0 $0x1;
	_ =	shalt  }
.Lfunc_end2:
_tile_overlayer_lowered:
.L_overlay_start_2:
0x6b: {  	(tag) =	ssettag $0x2  }
0x6c: {  	s0 =	rddreg [dreg:$0x0];
	s2 =	stileid.u32  }
0x6d: {  	s1 =	rddreg [dreg:$0x1];
	p0 =	sne.s32 s2, $0x0  }
0x6e: {  	s3 =	rddreg [dreg:$0x2];
	[bflag:$0x3] =	sbarrier.arrive $0xFFFF;
	s2 =	simm.s32 @!p0 $0x1C01  }
0x6f: {  	[timem:s3], [sflag:s2] =	dma.local @!p0 [hbm:s0], s1  }
0x70: {  	s0 =	simm.s32 @!p0 $0x1  }
0x71: {  	_ =	swait.ge @!p0 [sflag:s0], s1  }
0x72: {  	s1 =	ssub.s32 @!p0 $0x0, s1;
	[sflag:s0] =	ssyncset.done @!p0 $0x0  }
0x73: {  	[sflag:s0] =	ssyncadd.s32 @!p0 s1  }
0x74: {  	[bflag:$0x3] =	sbarrier.arrive $0xFFFF  }
0x75: {  	_ =	shalt  }

</sc_bundles>
